<compile_context>
chip_gen: v7x
topology: tpu7x:2x2x1
jax: 0.10.2.dev20260603
libtpu: 0.0.44.dev20260713+nightly
codegen_flags: <defaults>
</compile_context>

<pallas_src>
import jax
import jax.numpy as jnp
from jax import lax
from jax.experimental import pallas as pl
from jax.experimental.pallas import tpu as pltpu
from jax.experimental.pallas import tpu_sc as plsc

N_COARSE = 262144
C = 32
N_FINE = 8 * N_COARSE

NUM_CORES = 2
NUM_SUBCORES = 16
NW = NUM_CORES * NUM_SUBCORES
ROWS_PER_W = N_COARSE // NW
CHUNK = 128
FINE_PER_CHUNK = 8 * CHUNK
N_CHUNKS = ROWS_PER_W // CHUNK
L = 16
DWORDS = CHUNK * C
OWORDS = FINE_PER_CHUNK * C


def _unpool_body(data_hbm, mask_hbm, out_hbm,
                 dbuf0, dbuf1, mbuf0, mbuf1, wbuf0, wbuf1, obuf0, obuf1,
                 isem0, isem1, osem0, osem1):
    wid = lax.axis_index("s") * NUM_CORES + lax.axis_index("c")
    w_base = wid * ROWS_PER_W

    dbufs = (dbuf0, dbuf1)
    mbufs = (mbuf0, mbuf1)
    wbufs = (wbuf0, wbuf1)
    obufs = (obuf0, obuf1)
    isems = (isem0, isem1)
    osems = (osem0, osem1)

    lanes = lax.iota(jnp.int32, L)
    lanes_o = lanes * (8 * C)
    zvec = jnp.zeros((L,), jnp.float32)

    def start_in(chunk, p):
        base = w_base + chunk * CHUNK
        pltpu.make_async_copy(
            data_hbm.at[pl.ds(base * C, DWORDS)], dbufs[p], isems[p]).start()
        pltpu.make_async_copy(
            mask_hbm.at[pl.ds(base, CHUNK)], mbufs[p], isems[p]).start()

    def wait_in(p):
        pltpu.make_async_copy(
            data_hbm.at[pl.ds(0, DWORDS)], dbufs[p], isems[p]).wait()
        pltpu.make_async_copy(
            mask_hbm.at[pl.ds(0, CHUNK)], mbufs[p], isems[p]).wait()

    def zinit(j, _):
        obuf0[pl.ds(j * L, L)] = zvec
        obuf1[pl.ds(j * L, L)] = zvec
        return 0

    lax.fori_loop(0, OWORDS // L, zinit, 0)

    start_in(0, 0)
    start_in(1, 1)

    def step(g2, _):
        for p in range(2):
            chunk = g2 * 2 + p
            base = w_base + chunk * CHUNK
            dbuf, mbuf, wbuf, obuf = dbufs[p], mbufs[p], wbufs[p], obufs[p]

            wait_in(p)

            @pl.when(g2 > 0)
            def _():
                pltpu.make_async_copy(
                    obuf, out_hbm.at[pl.ds(0, OWORDS)], osems[p]).wait()

                def erase_body(b, _):
                    v = wbuf[pl.ds(b * L, L)]
                    for k in range(L):
                        pw = v[k]
                        obuf[pl.ds(pw, L)] = zvec
                        obuf[pl.ds(pw + L, L)] = zvec
                    return 0

                lax.fori_loop(0, CHUNK // L, erase_body, 0)

            for b in range(CHUNK // L):
                m = mbuf[pl.ds(b * L, L)]
                wbuf[pl.ds(b * L, L)] = (b * (L * 8 * C)) + lanes_o + m * C

            def scat_body(b, _):
                v = wbuf[pl.ds(b * L, L)]
                for k in range(L):
                    wi = v[k]
                    i = b * L + k
                    obuf[pl.ds(wi, L)] = dbuf[pl.ds(i * C, L)]
                    obuf[pl.ds(wi + L, L)] = dbuf[pl.ds(i * C + L, L)]
                return 0

            lax.fori_loop(0, CHUNK // L, scat_body, 0)

            plsc.subcore_barrier()

            pltpu.make_async_copy(
                obuf, out_hbm.at[pl.ds(base * 8 * C, OWORDS)],
                osems[p]).start()

            @pl.when(g2 < (N_CHUNKS // 2) - 1)
            def _():
                start_in(chunk + 2, p)
        return 0

    lax.fori_loop(0, N_CHUNKS // 2, step, 0)

    for p in range(2):
        pltpu.make_async_copy(
            obufs[p], out_hbm.at[pl.ds(0, OWORDS)], osems[p]).wait()


@jax.jit
def _unpool(data, mask):
    f = pl.kernel(
        _unpool_body,
        out_type=jax.ShapeDtypeStruct((N_FINE * C,), jnp.float32),
        mesh=plsc.VectorSubcoreMesh(core_axis_name="c", subcore_axis_name="s"),
        scratch_types=[
            pltpu.VMEM((DWORDS,), jnp.float32),
            pltpu.VMEM((DWORDS,), jnp.float32),
            pltpu.VMEM((CHUNK,), jnp.int32),
            pltpu.VMEM((CHUNK,), jnp.int32),
            pltpu.VMEM((CHUNK,), jnp.int32),
            pltpu.VMEM((CHUNK,), jnp.int32),
            pltpu.VMEM((OWORDS,), jnp.float32),
            pltpu.VMEM((OWORDS,), jnp.float32),
            pltpu.SemaphoreType.DMA,
            pltpu.SemaphoreType.DMA,
            pltpu.SemaphoreType.DMA,
            pltpu.SemaphoreType.DMA,
        ],
        compiler_params=pltpu.CompilerParams(
            needs_layout_passes=False, use_tc_tiling_on_sc=False),
    )
    return f(data.reshape(N_COARSE * C), mask)


def kernel(data, mask, octree):
    del octree
    return _unpool(data, mask).reshape(N_FINE, C)

# --- scband reference (transcript-rebuilt; emitter-appended) ---
"""Pipeline reference for scband-octree-max-unpool-51677046505683 (READ-ONLY COPY).

The authoritative reference and input builder live on the scoring server;
editing this copy changes nothing except your own understanding.
"""

import jax, jax.numpy as jnp
import numpy as np

DEPTH = 6
N_COARSE = 262144
C = 32
N_FINE = 8 * N_COARSE


def setup_inputs(seed: int = 0) -> dict:
    key = jax.random.key(seed)
    k1, k2 = jax.random.split(key)
    data = jax.random.normal(k1, (N_COARSE, C), dtype=jnp.float32)
    # mask holds, for each coarse (pooled) node, which of its 8 children at
    # depth+1 held the max during pooling (ocnn stores fine-level indices;
    # here we store the child offset in [0, 8) and reconstruct the flat index).
    mask = jax.random.randint(k2, (N_COARSE,), 0, 8, dtype=jnp.int32)
    octree = N_FINE  # stand-in for the octree structure: number of fine nodes at depth+1
    return {"data": data, "mask": mask, "octree": octree}


def reference(data, mask, octree):
    # OctreeMaxUnpool.forward:
    #   pool = octree_depad(data, octree, depth)  -> identity here (data already non-padded)
    #   output = octree_max_unpool(pool, mask, octree, depth + 1)
    # Max-unpool = scatter (overwrite) of coarse features into the zero-initialized
    # fine-level buffer at the argmax child positions recorded in mask.
    n_coarse = data.shape[0]
    n_fine = 8 * n_coarse  # static fine-node count; equals the traced `octree` value
    idx = jnp.arange(n_coarse, dtype=jnp.int32) * 8 + mask  # flat fine-level indices
    idx = jnp.minimum(idx, octree - 1)  # clamp to buffer bounds (identity: idx < octree)
    out = jnp.zeros((n_fine, data.shape[1]), dtype=data.dtype)
    out = out.at[idx].set(data)
    return out

if __name__ == "__main__":
    import jax
    _d = setup_inputs()
    print(jax.jit(kernel)(*tuple(_d.values())))

</pallas_src>

<mosaic_0001>
#map = affine_map<(d0, d1) -> (0)>
module attributes {stable_mosaic.version = 14 : i64} {
  func.func @_unpool_body(%arg0: i32, %arg1: i32, %arg2: memref<8388608xf32, #tpu.memory_space<hbm>>, %arg3: memref<262144xi32, #tpu.memory_space<hbm>>, %arg4: memref<67108864xf32, #tpu.memory_space<hbm>>, %arg5: memref<4096xf32, #tpu.memory_space<vmem>>, %arg6: memref<4096xf32, #tpu.memory_space<vmem>>, %arg7: memref<128xi32, #tpu.memory_space<vmem>>, %arg8: memref<128xi32, #tpu.memory_space<vmem>>, %arg9: memref<128xi32, #tpu.memory_space<vmem>>, %arg10: memref<128xi32, #tpu.memory_space<vmem>>, %arg11: memref<32768xf32, #tpu.memory_space<vmem>>, %arg12: memref<32768xf32, #tpu.memory_space<vmem>>, %arg13: memref<!tpu.dma_semaphore, #tpu.memory_space<semaphore_mem>>, %arg14: memref<!tpu.dma_semaphore, #tpu.memory_space<semaphore_mem>>, %arg15: memref<!tpu.dma_semaphore, #tpu.memory_space<semaphore_mem>>, %arg16: memref<!tpu.dma_semaphore, #tpu.memory_space<semaphore_mem>>) attributes {dimension_semantics = [#tpu.dimension_semantics<core_parallel>, #tpu.dimension_semantics<subcore_parallel>], iteration_bounds = array<i64: 2, 16>, scalar_prefetch = 0 : i64, scratch_operands = 12 : i64, tpu.core_type = #tpu.core_type<sc_vector_subcore>, window_params = [{transform_indices = #map}, {transform_indices = #map}, {transform_indices = #map}]} {
    %mul3A = arith.constant 2 : i32
    %mul3A_0 = arith.muli %arg1, %mul3A : i32
    %add3A = arith.addi %mul3A_0, %arg0 : i32
    %mul3A_1 = arith.constant 8192 : i32
    %mul3A_2 = arith.muli %add3A, %mul3A_1 : i32
    %iota3A = tpu.iota {dimensions = array<i32: 0>} : vector<16xi32>
    %mul3A_3 = arith.constant 256 : i32
    %mul3A_4 = vector.broadcast %mul3A_3 : i32 to vector<16xi32>
    %mul3A_5 = arith.muli %iota3A, %mul3A_4 : vector<16xi32>
    %broadcast_in_dim3A = arith.constant 0.000000e+00 : f32
    %broadcast_in_dim3A_6 = vector.broadcast %broadcast_in_dim3A : f32 to vector<16xf32>
    %scan3A = arith.constant 0 : i32
    %scan3A_7 = arith.constant 0 : i32
    %scan3A_8 = arith.constant 2048 : i32
    %scan3A_9 = arith.addi %scan3A_7, %scan3A_8 : i32
    %scan3A_10 = arith.constant 1 : i32
    %scan3A_11 = scf.for %scan3A_42 = %scan3A_7 to %scan3A_9 step %scan3A_10 iter_args(%scan3A_43 = %scan3A) -> (i32)  : i32 {
      %mul3A_44 = arith.constant 16 : i32
      %mul3A_45 = arith.muli %scan3A_42, %mul3A_44 : i32
      %swap3A = arith.index_cast %mul3A_45 : i32 to index
      %swap3A_46 = tpu.vector_load %arg11[%swap3A] {strides = array<i32>} : memref<32768xf32, #tpu.memory_space<vmem>>, vector<16xf32>,
      tpu.vector_store %arg11[%swap3A], %broadcast_in_dim3A_6 {strides = array<i32>} : memref<32768xf32, #tpu.memory_space<vmem>>, vector<16xf32>,
      %mul3A_47 = arith.constant 16 : i32
      %mul3A_48 = arith.muli %scan3A_42, %mul3A_47 : i32
      %swap3A_49 = arith.index_cast %mul3A_48 : i32 to index
      %swap3A_50 = tpu.vector_load %arg12[%swap3A_49] {strides = array<i32>} : memref<32768xf32, #tpu.memory_space<vmem>>, vector<16xf32>,
      tpu.vector_store %arg12[%swap3A_49], %broadcast_in_dim3A_6 {strides = array<i32>} : memref<32768xf32, #tpu.memory_space<vmem>>, vector<16xf32>,
      %scan3A_51 = arith.constant 0 : i32
      scf.yield %scan3A_51 : i32
    }
    %scan3A_12 = arith.constant 2048 : i32
    %add3A_13 = arith.constant 0 : i32
    %add3A_14 = arith.addi %mul3A_2, %add3A_13 : i32
    %mul3A_15 = arith.constant 32 : i32
    %mul3A_16 = arith.muli %add3A_14, %mul3A_15 : i32
    %dma_start3A = tpu.memref_slice %arg2[%mul3A_16] : memref<8388608xf32, #tpu.memory_space<hbm>> -> memref<4096xf32, #tpu.memory_space<hbm>>
    %dma_start3A_17 = tpu.memref_slice %arg2[%mul3A_16] : memref<8388608xf32, #tpu.memory_space<hbm>> -> memref<4096xf32, #tpu.memory_space<hbm>>
    tpu.enqueue_dma source(%dma_start3A_17 : memref<4096xf32, #tpu.memory_space<hbm>>) target(%arg5 : memref<4096xf32, #tpu.memory_space<vmem>>) target_semaphore(%arg13 : memref<!tpu.dma_semaphore, #tpu.memory_space<semaphore_mem>>)
    %dma_start3A_18 = tpu.memref_slice %arg3[%add3A_14] : memref<262144xi32, #tpu.memory_space<hbm>> -> memref<128xi32, #tpu.memory_space<hbm>>
    %dma_start3A_19 = tpu.memref_slice %arg3[%add3A_14] : memref<262144xi32, #tpu.memory_space<hbm>> -> memref<128xi32, #tpu.memory_space<hbm>>
    tpu.enqueue_dma source(%dma_start3A_19 : memref<128xi32, #tpu.memory_space<hbm>>) target(%arg7 : memref<128xi32, #tpu.memory_space<vmem>>) target_semaphore(%arg13 : memref<!tpu.dma_semaphore, #tpu.memory_space<semaphore_mem>>)
    %add3A_20 = arith.constant 128 : i32
    %add3A_21 = arith.addi %mul3A_2, %add3A_20 : i32
    %mul3A_22 = arith.constant 32 : i32
    %mul3A_23 = arith.muli %add3A_21, %mul3A_22 : i32
    %dma_start3A_24 = tpu.memref_slice %arg2[%mul3A_23] : memref<8388608xf32, #tpu.memory_space<hbm>> -> memref<4096xf32, #tpu.memory_space<hbm>>
    %dma_start3A_25 = tpu.memref_slice %arg2[%mul3A_23] : memref<8388608xf32, #tpu.memory_space<hbm>> -> memref<4096xf32, #tpu.memory_space<hbm>>
    tpu.enqueue_dma source(%dma_start3A_25 : memref<4096xf32, #tpu.memory_space<hbm>>) target(%arg6 : memref<4096xf32, #tpu.memory_space<vmem>>) target_semaphore(%arg14 : memref<!tpu.dma_semaphore, #tpu.memory_space<semaphore_mem>>)
    %dma_start3A_26 = tpu.memref_slice %arg3[%add3A_21] : memref<262144xi32, #tpu.memory_space<hbm>> -> memref<128xi32, #tpu.memory_space<hbm>>
    %dma_start3A_27 = tpu.memref_slice %arg3[%add3A_21] : memref<262144xi32, #tpu.memory_space<hbm>> -> memref<128xi32, #tpu.memory_space<hbm>>
    tpu.enqueue_dma source(%dma_start3A_27 : memref<128xi32, #tpu.memory_space<hbm>>) target(%arg8 : memref<128xi32, #tpu.memory_space<vmem>>) target_semaphore(%arg14 : memref<!tpu.dma_semaphore, #tpu.memory_space<semaphore_mem>>)
    %scan3A_28 = arith.constant 0 : i32
    %scan3A_29 = arith.constant 0 : i32
    %scan3A_30 = arith.constant 32 : i32
    %scan3A_31 = arith.addi %scan3A_29, %scan3A_30 : i32
    %scan3A_32 = arith.constant 1 : i32
    %scan3A_33 = scf.for %scan3A_42 = %scan3A_29 to %scan3A_31 step %scan3A_32 iter_args(%scan3A_43 = %scan3A_28) -> (i32)  : i32 {
      %mul3A_44 = arith.constant 2 : i32
      %mul3A_45 = arith.muli %scan3A_42, %mul3A_44 : i32
      %add3A_46 = arith.constant 0 : i32
      %add3A_47 = arith.addi %mul3A_45, %add3A_46 : i32
      %mul3A_48 = arith.constant 128 : i32
      %mul3A_49 = arith.muli %add3A_47, %mul3A_48 : i32
      %add3A_50 = arith.addi %mul3A_2, %mul3A_49 : i32
      %dma_wait3A_51 = arith.constant 0 : i32
      %dma_wait3A_52 = tpu.memref_slice %arg2[%dma_wait3A_51] : memref<8388608xf32, #tpu.memory_space<hbm>> -> memref<4096xf32, #tpu.memory_space<hbm>>
      %dma_wait3A_53 = arith.constant 0 : i32
      %dma_wait3A_54 = tpu.memref_slice %arg2[%dma_wait3A_53] : memref<8388608xf32, #tpu.memory_space<hbm>> -> memref<4096xf32, #tpu.memory_space<hbm>>
      tpu.wait_dma2 semaphore(%arg13 : memref<!tpu.dma_semaphore, #tpu.memory_space<semaphore_mem>>) src(%dma_wait3A_54 : memref<4096xf32, #tpu.memory_space<hbm>>) dst(%arg5 : memref<4096xf32, #tpu.memory_space<vmem>>)
      %dma_wait3A_55 = arith.constant 0 : i32
      %dma_wait3A_56 = tpu.memref_slice %arg3[%dma_wait3A_55] : memref<262144xi32, #tpu.memory_space<hbm>> -> memref<128xi32, #tpu.memory_space<hbm>>
      %dma_wait3A_57 = arith.constant 0 : i32
      %dma_wait3A_58 = tpu.memref_slice %arg3[%dma_wait3A_57] : memref<262144xi32, #tpu.memory_space<hbm>> -> memref<128xi32, #tpu.memory_space<hbm>>
      tpu.wait_dma2 semaphore(%arg13 : memref<!tpu.dma_semaphore, #tpu.memory_space<semaphore_mem>>) src(%dma_wait3A_58 : memref<128xi32, #tpu.memory_space<hbm>>) dst(%arg7 : memref<128xi32, #tpu.memory_space<vmem>>)
      %gt3A = arith.constant 0 : i32
      %gt3A_59 = arith.cmpi sgt, %scan3A_42, %gt3A : i32
      %convert_element_type3A = arith.extui %gt3A_59 : i1 to i32
      %cond3A = arith.constant 0 : i32
      %cond3A_60 = arith.cmpi ne, %convert_element_type3A, %cond3A : i32
      scf.if %cond3A_60 {
        %dma_wait3A_292 = arith.constant 0 : i32
        %dma_wait3A_293 = tpu.memref_slice %arg4[%dma_wait3A_292] : memref<67108864xf32, #tpu.memory_space<hbm>> -> memref<32768xf32, #tpu.memory_space<hbm>>
        %dma_wait3A_294 = arith.constant 0 : i32
        %dma_wait3A_295 = tpu.memref_slice %arg4[%dma_wait3A_294] : memref<67108864xf32, #tpu.memory_space<hbm>> -> memref<32768xf32, #tpu.memory_space<hbm>>
        tpu.wait_dma2 semaphore(%arg15 : memref<!tpu.dma_semaphore, #tpu.memory_space<semaphore_mem>>) src(%arg11 : memref<32768xf32, #tpu.memory_space<vmem>>) dst(%dma_wait3A_295 : memref<32768xf32, #tpu.memory_space<hbm>>)
        %scan3A_296 = arith.constant 0 : i32
        %scan3A_297 = arith.constant 0 : i32
        %scan3A_298 = arith.constant 8 : i32
        %scan3A_299 = arith.addi %scan3A_297, %scan3A_298 : i32
        %scan3A_300 = arith.constant 1 : i32
        %scan3A_301 = scf.for %scan3A_303 = %scan3A_297 to %scan3A_299 step %scan3A_300 iter_args(%scan3A_304 = %scan3A_296) -> (i32)  : i32 {
          %mul3A_305 = arith.constant 16 : i32
          %mul3A_306 = arith.muli %scan3A_303, %mul3A_305 : i32
          %get3A_307 = arith.index_cast %mul3A_306 : i32 to index
          %get3A_308 = tpu.vector_load %arg9[%get3A_307] {strides = array<i32>} : memref<128xi32, #tpu.memory_space<vmem>>, vector<16xi32>,
          %slice3A = vector.extract_strided_slice %get3A_308 {offsets = [0], sizes = [1], strides = [1]} : vector<16xi32> to vector<1xi32>
          %squeeze3A = vector.extract %slice3A[0] : i32 from vector<1xi32>
          %swap3A_309 = arith.index_cast %squeeze3A : i32 to index
          %swap3A_310 = tpu.vector_load %arg11[%swap3A_309] {strides = array<i32>} : memref<32768xf32, #tpu.memory_space<vmem>>, vector<16xf32>,
          tpu.vector_store %arg11[%swap3A_309], %broadcast_in_dim3A_6 {strides = array<i32>} : memref<32768xf32, #tpu.memory_space<vmem>>, vector<16xf32>,
          %add3A_311 = arith.constant 16 : i32
          %add3A_312 = arith.addi %squeeze3A, %add3A_311 : i32
          %swap3A_313 = arith.index_cast %add3A_312 : i32 to index
          %swap3A_314 = tpu.vector_load %arg11[%swap3A_313] {strides = array<i32>} : memref<32768xf32, #tpu.memory_space<vmem>>, vector<16xf32>,
          tpu.vector_store %arg11[%swap3A_313], %broadcast_in_dim3A_6 {strides = array<i32>} : memref<32768xf32, #tpu.memory_space<vmem>>, vector<16xf32>,
          %slice3A_315 = vector.extract_strided_slice %get3A_308 {offsets = [1], sizes = [1], strides = [1]} : vector<16xi32> to vector<1xi32>
          %squeeze3A_316 = vector.extract %slice3A_315[0] : i32 from vector<1xi32>
          %swap3A_317 = arith.index_cast %squeeze3A_316 : i32 to index
          %swap3A_318 = tpu.vector_load %arg11[%swap3A_317] {strides = array<i32>} : memref<32768xf32, #tpu.memory_space<vmem>>, vector<16xf32>,
          tpu.vector_store %arg11[%swap3A_317], %broadcast_in_dim3A_6 {strides = array<i32>} : memref<32768xf32, #tpu.memory_space<vmem>>, vector<16xf32>,
          %add3A_319 = arith.constant 16 : i32
          %add3A_320 = arith.addi %squeeze3A_316, %add3A_319 : i32
          %swap3A_321 = arith.index_cast %add3A_320 : i32 to index
          %swap3A_322 = tpu.vector_load %arg11[%swap3A_321] {strides = array<i32>} : memref<32768xf32, #tpu.memory_space<vmem>>, vector<16xf32>,
          tpu.vector_store %arg11[%swap3A_321], %broadcast_in_dim3A_6 {strides = array<i32>} : memref<32768xf32, #tpu.memory_space<vmem>>, vector<16xf32>,
          %slice3A_323 = vector.extract_strided_slice %get3A_308 {offsets = [2], sizes = [1], strides = [1]} : vector<16xi32> to vector<1xi32>
          %squeeze3A_324 = vector.extract %slice3A_323[0] : i32 from vector<1xi32>
          %swap3A_325 = arith.index_cast %squeeze3A_324 : i32 to index
          %swap3A_326 = tpu.vector_load %arg11[%swap3A_325] {strides = array<i32>} : memref<32768xf32, #tpu.memory_space<vmem>>, vector<16xf32>,
          tpu.vector_store %arg11[%swap3A_325], %broadcast_in_dim3A_6 {strides = array<i32>} : memref<32768xf32, #tpu.memory_space<vmem>>, vector<16xf32>,
          %add3A_327 = arith.constant 16 : i32
          %add3A_328 = arith.addi %squeeze3A_324, %add3A_327 : i32
          %swap3A_329 = arith.index_cast %add3A_328 : i32 to index
          %swap3A_330 = tpu.vector_load %arg11[%swap3A_329] {strides = array<i32>} : memref<32768xf32, #tpu.memory_space<vmem>>, vector<16xf32>,
          tpu.vector_store %arg11[%swap3A_329], %broadcast_in_dim3A_6 {strides = array<i32>} : memref<32768xf32, #tpu.memory_space<vmem>>, vector<16xf32>,
          %slice3A_331 = vector.extract_strided_slice %get3A_308 {offsets = [3], sizes = [1], strides = [1]} : vector<16xi32> to vector<1xi32>
          %squeeze3A_332 = vector.extract %slice3A_331[0] : i32 from vector<1xi32>
          %swap3A_333 = arith.index_cast %squeeze3A_332 : i32 to index
          %swap3A_334 = tpu.vector_load %arg11[%swap3A_333] {strides = array<i32>} : memref<32768xf32, #tpu.memory_space<vmem>>, vector<16xf32>,
          tpu.vector_store %arg11[%swap3A_333], %broadcast_in_dim3A_6 {strides = array<i32>} : memref<32768xf32, #tpu.memory_space<vmem>>, vector<16xf32>,
          %add3A_335 = arith.constant 16 : i32
          %add3A_336 = arith.addi %squeeze3A_332, %add3A_335 : i32
          %swap3A_337 = arith.index_cast %add3A_336 : i32 to index
          %swap3A_338 = tpu.vector_load %arg11[%swap3A_337] {strides = array<i32>} : memref<32768xf32, #tpu.memory_space<vmem>>, vector<16xf32>,
          tpu.vector_store %arg11[%swap3A_337], %broadcast_in_dim3A_6 {strides = array<i32>} : memref<32768xf32, #tpu.memory_space<vmem>>, vector<16xf32>,
          %slice3A_339 = vector.extract_strided_slice %get3A_308 {offsets = [4], sizes = [1], strides = [1]} : vector<16xi32> to vector<1xi32>
          %squeeze3A_340 = vector.extract %slice3A_339[0] : i32 from vector<1xi32>
          %swap3A_341 = arith.index_cast %squeeze3A_340 : i32 to index
          %swap3A_342 = tpu.vector_load %arg11[%swap3A_341] {strides = array<i32>} : memref<32768xf32, #tpu.memory_space<vmem>>, vector<16xf32>,
          tpu.vector_store %arg11[%swap3A_341], %broadcast_in_dim3A_6 {strides = array<i32>} : memref<32768xf32, #tpu.memory_space<vmem>>, vector<16xf32>,
          %add3A_343 = arith.constant 16 : i32
          %add3A_344 = arith.addi %squeeze3A_340, %add3A_343 : i32
          %swap3A_345 = arith.index_cast %add3A_344 : i32 to index
          %swap3A_346 = tpu.vector_load %arg11[%swap3A_345] {strides = array<i32>} : memref<32768xf32, #tpu.memory_space<vmem>>, vector<16xf32>,
          tpu.vector_store %arg11[%swap3A_345], %broadcast_in_dim3A_6 {strides = array<i32>} : memref<32768xf32, #tpu.memory_space<vmem>>, vector<16xf32>,
          %slice3A_347 = vector.extract_strided_slice %get3A_308 {offsets = [5], sizes = [1], strides = [1]} : vector<16xi32> to vector<1xi32>
          %squeeze3A_348 = vector.extract %slice3A_347[0] : i32 from vector<1xi32>
          %swap3A_349 = arith.index_cast %squeeze3A_348 : i32 to index
          %swap3A_350 = tpu.vector_load %arg11[%swap3A_349] {strides = array<i32>} : memref<32768xf32, #tpu.memory_space<vmem>>, vector<16xf32>,
          tpu.vector_store %arg11[%swap3A_349], %broadcast_in_dim3A_6 {strides = array<i32>} : memref<32768xf32, #tpu.memory_space<vmem>>, vector<16xf32>,
          %add3A_351 = arith.constant 16 : i32
          %add3A_352 = arith.addi %squeeze3A_348, %add3A_351 : i32
          %swap3A_353 = arith.index_cast %add3A_352 : i32 to index
          %swap3A_354 = tpu.vector_load %arg11[%swap3A_353] {strides = array<i32>} : memref<32768xf32, #tpu.memory_space<vmem>>, vector<16xf32>,
          tpu.vector_store %arg11[%swap3A_353], %broadcast_in_dim3A_6 {strides = array<i32>} : memref<32768xf32, #tpu.memory_space<vmem>>, vector<16xf32>,
          %slice3A_355 = vector.extract_strided_slice %get3A_308 {offsets = [6], sizes = [1], strides = [1]} : vector<16xi32> to vector<1xi32>
          %squeeze3A_356 = vector.extract %slice3A_355[0] : i32 from vector<1xi32>
          %swap3A_357 = arith.index_cast %squeeze3A_356 : i32 to index
          %swap3A_358 = tpu.vector_load %arg11[%swap3A_357] {strides = array<i32>} : memref<32768xf32, #tpu.memory_space<vmem>>, vector<16xf32>,
          tpu.vector_store %arg11[%swap3A_357], %broadcast_in_dim3A_6 {strides = array<i32>} : memref<32768xf32, #tpu.memory_space<vmem>>, vector<16xf32>,
          %add3A_359 = arith.constant 16 : i32
          %add3A_360 = arith.addi %squeeze3A_356, %add3A_359 : i32
          %swap3A_361 = arith.index_cast %add3A_360 : i32 to index
          %swap3A_362 = tpu.vector_load %arg11[%swap3A_361] {strides = array<i32>} : memref<32768xf32, #tpu.memory_space<vmem>>, vector<16xf32>,
          tpu.vector_store %arg11[%swap3A_361], %broadcast_in_dim3A_6 {strides = array<i32>} : memref<32768xf32, #tpu.memory_space<vmem>>, vector<16xf32>,
          %slice3A_363 = vector.extract_strided_slice %get3A_308 {offsets = [7], sizes = [1], strides = [1]} : vector<16xi32> to vector<1xi32>
          %squeeze3A_364 = vector.extract %slice3A_363[0] : i32 from vector<1xi32>
          %swap3A_365 = arith.index_cast %squeeze3A_364 : i32 to index
          %swap3A_366 = tpu.vector_load %arg11[%swap3A_365] {strides = array<i32>} : memref<32768xf32, #tpu.memory_space<vmem>>, vector<16xf32>,
          tpu.vector_store %arg11[%swap3A_365], %broadcast_in_dim3A_6 {strides = array<i32>} : memref<32768xf32, #tpu.memory_space<vmem>>, vector<16xf32>,
          %add3A_367 = arith.constant 16 : i32
          %add3A_368 = arith.addi %squeeze3A_364, %add3A_367 : i32
          %swap3A_369 = arith.index_cast %add3A_368 : i32 to index
          %swap3A_370 = tpu.vector_load %arg11[%swap3A_369] {strides = array<i32>} : memref<32768xf32, #tpu.memory_space<vmem>>, vector<16xf32>,
          tpu.vector_store %arg11[%swap3A_369], %broadcast_in_dim3A_6 {strides = array<i32>} : memref<32768xf32, #tpu.memory_space<vmem>>, vector<16xf32>,
          %slice3A_371 = vector.extract_strided_slice %get3A_308 {offsets = [8], sizes = [1], strides = [1]} : vector<16xi32> to vector<1xi32>
          %squeeze3A_372 = vector.extract %slice3A_371[0] : i32 from vector<1xi32>
          %swap3A_373 = arith.index_cast %squeeze3A_372 : i32 to index
          %swap3A_374 = tpu.vector_load %arg11[%swap3A_373] {strides = array<i32>} : memref<32768xf32, #tpu.memory_space<vmem>>, vector<16xf32>,
          tpu.vector_store %arg11[%swap3A_373], %broadcast_in_dim3A_6 {strides = array<i32>} : memref<32768xf32, #tpu.memory_space<vmem>>, vector<16xf32>,
          %add3A_375 = arith.constant 16 : i32
          %add3A_376 = arith.addi %squeeze3A_372, %add3A_375 : i32
          %swap3A_377 = arith.index_cast %add3A_376 : i32 to index
          %swap3A_378 = tpu.vector_load %arg11[%swap3A_377] {strides = array<i32>} : memref<32768xf32, #tpu.memory_space<vmem>>, vector<16xf32>,
          tpu.vector_store %arg11[%swap3A_377], %broadcast_in_dim3A_6 {strides = array<i32>} : memref<32768xf32, #tpu.memory_space<vmem>>, vector<16xf32>,
          %slice3A_379 = vector.extract_strided_slice %get3A_308 {offsets = [9], sizes = [1], strides = [1]} : vector<16xi32> to vector<1xi32>
          %squeeze3A_380 = vector.extract %slice3A_379[0] : i32 from vector<1xi32>
          %swap3A_381 = arith.index_cast %squeeze3A_380 : i32 to index
          %swap3A_382 = tpu.vector_load %arg11[%swap3A_381] {strides = array<i32>} : memref<32768xf32, #tpu.memory_space<vmem>>, vector<16xf32>,
          tpu.vector_store %arg11[%swap3A_381], %broadcast_in_dim3A_6 {strides = array<i32>} : memref<32768xf32, #tpu.memory_space<vmem>>, vector<16xf32>,
          %add3A_383 = arith.constant 16 : i32
          %add3A_384 = arith.addi %squeeze3A_380, %add3A_383 : i32
          %swap3A_385 = arith.index_cast %add3A_384 : i32 to index
          %swap3A_386 = tpu.vector_load %arg11[%swap3A_385] {strides = array<i32>} : memref<32768xf32, #tpu.memory_space<vmem>>, vector<16xf32>,
          tpu.vector_store %arg11[%swap3A_385], %broadcast_in_dim3A_6 {strides = array<i32>} : memref<32768xf32, #tpu.memory_space<vmem>>, vector<16xf32>,
          %slice3A_387 = vector.extract_strided_slice %get3A_308 {offsets = [10], sizes = [1], strides = [1]} : vector<16xi32> to vector<1xi32>
          %squeeze3A_388 = vector.extract %slice3A_387[0] : i32 from vector<1xi32>
          %swap3A_389 = arith.index_cast %squeeze3A_388 : i32 to index
          %swap3A_390 = tpu.vector_load %arg11[%swap3A_389] {strides = array<i32>} : memref<32768xf32, #tpu.memory_space<vmem>>, vector<16xf32>,
          tpu.vector_store %arg11[%swap3A_389], %broadcast_in_dim3A_6 {strides = array<i32>} : memref<32768xf32, #tpu.memory_space<vmem>>, vector<16xf32>,
          %add3A_391 = arith.constant 16 : i32
          %add3A_392 = arith.addi %squeeze3A_388, %add3A_391 : i32
          %swap3A_393 = arith.index_cast %add3A_392 : i32 to index
          %swap3A_394 = tpu.vector_load %arg11[%swap3A_393] {strides = array<i32>} : memref<32768xf32, #tpu.memory_space<vmem>>, vector<16xf32>,
          tpu.vector_store %arg11[%swap3A_393], %broadcast_in_dim3A_6 {strides = array<i32>} : memref<32768xf32, #tpu.memory_space<vmem>>, vector<16xf32>,
          %slice3A_395 = vector.extract_strided_slice %get3A_308 {offsets = [11], sizes = [1], strides = [1]} : vector<16xi32> to vector<1xi32>
          %squeeze3A_396 = vector.extract %slice3A_395[0] : i32 from vector<1xi32>
          %swap3A_397 = arith.index_cast %squeeze3A_396 : i32 to index
          %swap3A_398 = tpu.vector_load %arg11[%swap3A_397] {strides = array<i32>} : memref<32768xf32, #tpu.memory_space<vmem>>, vector<16xf32>,
          tpu.vector_store %arg11[%swap3A_397], %broadcast_in_dim3A_6 {strides = array<i32>} : memref<32768xf32, #tpu.memory_space<vmem>>, vector<16xf32>,
          %add3A_399 = arith.constant 16 : i32
          %add3A_400 = arith.addi %squeeze3A_396, %add3A_399 : i32
          %swap3A_401 = arith.index_cast %add3A_400 : i32 to index
          %swap3A_402 = tpu.vector_load %arg11[%swap3A_401] {strides = array<i32>} : memref<32768xf32, #tpu.memory_space<vmem>>, vector<16xf32>,
          tpu.vector_store %arg11[%swap3A_401], %broadcast_in_dim3A_6 {strides = array<i32>} : memref<32768xf32, #tpu.memory_space<vmem>>, vector<16xf32>,
          %slice3A_403 = vector.extract_strided_slice %get3A_308 {offsets = [12], sizes = [1], strides = [1]} : vector<16xi32> to vector<1xi32>
          %squeeze3A_404 = vector.extract %slice3A_403[0] : i32 from vector<1xi32>
          %swap3A_405 = arith.index_cast %squeeze3A_404 : i32 to index
          %swap3A_406 = tpu.vector_load %arg11[%swap3A_405] {strides = array<i32>} : memref<32768xf32, #tpu.memory_space<vmem>>, vector<16xf32>,
          tpu.vector_store %arg11[%swap3A_405], %broadcast_in_dim3A_6 {strides = array<i32>} : memref<32768xf32, #tpu.memory_space<vmem>>, vector<16xf32>,
          %add3A_407 = arith.constant 16 : i32
          %add3A_408 = arith.addi %squeeze3A_404, %add3A_407 : i32
          %swap3A_409 = arith.index_cast %add3A_408 : i32 to index
          %swap3A_410 = tpu.vector_load %arg11[%swap3A_409] {strides = array<i32>} : memref<32768xf32, #tpu.memory_space<vmem>>, vector<16xf32>,
          tpu.vector_store %arg11[%swap3A_409], %broadcast_in_dim3A_6 {strides = array<i32>} : memref<32768xf32, #tpu.memory_space<vmem>>, vector<16xf32>,
          %slice3A_411 = vector.extract_strided_slice %get3A_308 {offsets = [13], sizes = [1], strides = [1]} : vector<16xi32> to vector<1xi32>
          %squeeze3A_412 = vector.extract %slice3A_411[0] : i32 from vector<1xi32>
          %swap3A_413 = arith.index_cast %squeeze3A_412 : i32 to index
          %swap3A_414 = tpu.vector_load %arg11[%swap3A_413] {strides = array<i32>} : memref<32768xf32, #tpu.memory_space<vmem>>, vector<16xf32>,
          tpu.vector_store %arg11[%swap3A_413], %broadcast_in_dim3A_6 {strides = array<i32>} : memref<32768xf32, #tpu.memory_space<vmem>>, vector<16xf32>,
          %add3A_415 = arith.constant 16 : i32
          %add3A_416 = arith.addi %squeeze3A_412, %add3A_415 : i32
          %swap3A_417 = arith.index_cast %add3A_416 : i32 to index
          %swap3A_418 = tpu.vector_load %arg11[%swap3A_417] {strides = array<i32>} : memref<32768xf32, #tpu.memory_space<vmem>>, vector<16xf32>,
          tpu.vector_store %arg11[%swap3A_417], %broadcast_in_dim3A_6 {strides = array<i32>} : memref<32768xf32, #tpu.memory_space<vmem>>, vector<16xf32>,
          %slice3A_419 = vector.extract_strided_slice %get3A_308 {offsets = [14], sizes = [1], strides = [1]} : vector<16xi32> to vector<1xi32>
          %squeeze3A_420 = vector.extract %slice3A_419[0] : i32 from vector<1xi32>
          %swap3A_421 = arith.index_cast %squeeze3A_420 : i32 to index
          %swap3A_422 = tpu.vector_load %arg11[%swap3A_421] {strides = array<i32>} : memref<32768xf32, #tpu.memory_space<vmem>>, vector<16xf32>,
          tpu.vector_store %arg11[%swap3A_421], %broadcast_in_dim3A_6 {strides = array<i32>} : memref<32768xf32, #tpu.memory_space<vmem>>, vector<16xf32>,
          %add3A_423 = arith.constant 16 : i32
          %add3A_424 = arith.addi %squeeze3A_420, %add3A_423 : i32
          %swap3A_425 = arith.index_cast %add3A_424 : i32 to index
          %swap3A_426 = tpu.vector_load %arg11[%swap3A_425] {strides = array<i32>} : memref<32768xf32, #tpu.memory_space<vmem>>, vector<16xf32>,
          tpu.vector_store %arg11[%swap3A_425], %broadcast_in_dim3A_6 {strides = array<i32>} : memref<32768xf32, #tpu.memory_space<vmem>>, vector<16xf32>,
          %slice3A_427 = vector.extract_strided_slice %get3A_308 {offsets = [15], sizes = [1], strides = [1]} : vector<16xi32> to vector<1xi32>
          %squeeze3A_428 = vector.extract %slice3A_427[0] : i32 from vector<1xi32>
          %swap3A_429 = arith.index_cast %squeeze3A_428 : i32 to index
          %swap3A_430 = tpu.vector_load %arg11[%swap3A_429] {strides = array<i32>} : memref<32768xf32, #tpu.memory_space<vmem>>, vector<16xf32>,
          tpu.vector_store %arg11[%swap3A_429], %broadcast_in_dim3A_6 {strides = array<i32>} : memref<32768xf32, #tpu.memory_space<vmem>>, vector<16xf32>,
          %add3A_431 = arith.constant 16 : i32
          %add3A_432 = arith.addi %squeeze3A_428, %add3A_431 : i32
          %swap3A_433 = arith.index_cast %add3A_432 : i32 to index
          %swap3A_434 = tpu.vector_load %arg11[%swap3A_433] {strides = array<i32>} : memref<32768xf32, #tpu.memory_space<vmem>>, vector<16xf32>,
          tpu.vector_store %arg11[%swap3A_433], %broadcast_in_dim3A_6 {strides = array<i32>} : memref<32768xf32, #tpu.memory_space<vmem>>, vector<16xf32>,
          %scan3A_435 = arith.constant 0 : i32
          scf.yield %scan3A_435 : i32
        }
        %scan3A_302 = arith.constant 8 : i32
      } else {
      }
      %get3A = arith.constant 0 : index
      %get3A_61 = tpu.vector_load %arg7[%get3A] {strides = array<i32>} : memref<128xi32, #tpu.memory_space<vmem>>, vector<16xi32>,
      %add3A_62 = arith.constant 0 : i32
      %add3A_63 = vector.broadcast %add3A_62 : i32 to vector<16xi32>
      %add3A_64 = arith.addi %add3A_63, %mul3A_5 : vector<16xi32>
      %mul3A_65 = arith.constant 32 : i32
      %mul3A_66 = vector.broadcast %mul3A_65 : i32 to vector<16xi32>
      %mul3A_67 = arith.muli %get3A_61, %mul3A_66 : vector<16xi32>
      %add3A_68 = arith.addi %add3A_64, %mul3A_67 : vector<16xi32>
      %swap3A = arith.constant 0 : index
      %swap3A_69 = tpu.vector_load %arg9[%swap3A] {strides = array<i32>} : memref<128xi32, #tpu.memory_space<vmem>>, vector<16xi32>,
      tpu.vector_store %arg9[%swap3A], %add3A_68 {strides = array<i32>} : memref<128xi32, #tpu.memory_space<vmem>>, vector<16xi32>,
      %get3A_70 = arith.constant 16 : index
      %get3A_71 = tpu.vector_load %arg7[%get3A_70] {strides = array<i32>} : memref<128xi32, #tpu.memory_space<vmem>>, vector<16xi32>,
      %add3A_72 = arith.constant 4096 : i32
      %add3A_73 = vector.broadcast %add3A_72 : i32 to vector<16xi32>
      %add3A_74 = arith.addi %add3A_73, %mul3A_5 : vector<16xi32>
      %mul3A_75 = arith.constant 32 : i32
      %mul3A_76 = vector.broadcast %mul3A_75 : i32 to vector<16xi32>
      %mul3A_77 = arith.muli %get3A_71, %mul3A_76 : vector<16xi32>
      %add3A_78 = arith.addi %add3A_74, %mul3A_77 : vector<16xi32>
      %swap3A_79 = arith.constant 16 : index
      %swap3A_80 = tpu.vector_load %arg9[%swap3A_79] {strides = array<i32>} : memref<128xi32, #tpu.memory_space<vmem>>, vector<16xi32>,
      tpu.vector_store %arg9[%swap3A_79], %add3A_78 {strides = array<i32>} : memref<128xi32, #tpu.memory_space<vmem>>, vector<16xi32>,
      %get3A_81 = arith.constant 32 : index
      %get3A_82 = tpu.vector_load %arg7[%get3A_81] {strides = array<i32>} : memref<128xi32, #tpu.memory_space<vmem>>, vector<16xi32>,
      %add3A_83 = arith.constant 8192 : i32
      %add3A_84 = vector.broadcast %add3A_83 : i32 to vector<16xi32>
      %add3A_85 = arith.addi %add3A_84, %mul3A_5 : vector<16xi32>
      %mul3A_86 = arith.constant 32 : i32
      %mul3A_87 = vector.broadcast %mul3A_86 : i32 to vector<16xi32>
      %mul3A_88 = arith.muli %get3A_82, %mul3A_87 : vector<16xi32>
      %add3A_89 = arith.addi %add3A_85, %mul3A_88 : vector<16xi32>
      %swap3A_90 = arith.constant 32 : index
      %swap3A_91 = tpu.vector_load %arg9[%swap3A_90] {strides = array<i32>} : memref<128xi32, #tpu.memory_space<vmem>>, vector<16xi32>,
      tpu.vector_store %arg9[%swap3A_90], %add3A_89 {strides = array<i32>} : memref<128xi32, #tpu.memory_space<vmem>>, vector<16xi32>,
      %get3A_92 = arith.constant 48 : index
      %get3A_93 = tpu.vector_load %arg7[%get3A_92] {strides = array<i32>} : memref<128xi32, #tpu.memory_space<vmem>>, vector<16xi32>,
      %add3A_94 = arith.constant 12288 : i32
      %add3A_95 = vector.broadcast %add3A_94 : i32 to vector<16xi32>
      %add3A_96 = arith.addi %add3A_95, %mul3A_5 : vector<16xi32>
      %mul3A_97 = arith.constant 32 : i32
      %mul3A_98 = vector.broadcast %mul3A_97 : i32 to vector<16xi32>
      %mul3A_99 = arith.muli %get3A_93, %mul3A_98 : vector<16xi32>
      %add3A_100 = arith.addi %add3A_96, %mul3A_99 : vector<16xi32>
      %swap3A_101 = arith.constant 48 : index
      %swap3A_102 = tpu.vector_load %arg9[%swap3A_101] {strides = array<i32>} : memref<128xi32, #tpu.memory_space<vmem>>, vector<16xi32>,
      tpu.vector_store %arg9[%swap3A_101], %add3A_100 {strides = array<i32>} : memref<128xi32, #tpu.memory_space<vmem>>, vector<16xi32>,
      %get3A_103 = arith.constant 64 : index
      %get3A_104 = tpu.vector_load %arg7[%get3A_103] {strides = array<i32>} : memref<128xi32, #tpu.memory_space<vmem>>, vector<16xi32>,
      %add3A_105 = arith.constant 16384 : i32
      %add3A_106 = vector.broadcast %add3A_105 : i32 to vector<16xi32>
      %add3A_107 = arith.addi %add3A_106, %mul3A_5 : vector<16xi32>
      %mul3A_108 = arith.constant 32 : i32
      %mul3A_109 = vector.broadcast %mul3A_108 : i32 to vector<16xi32>
      %mul3A_110 = arith.muli %get3A_104, %mul3A_109 : vector<16xi32>
      %add3A_111 = arith.addi %add3A_107, %mul3A_110 : vector<16xi32>
      %swap3A_112 = arith.constant 64 : index
      %swap3A_113 = tpu.vector_load %arg9[%swap3A_112] {strides = array<i32>} : memref<128xi32, #tpu.memory_space<vmem>>, vector<16xi32>,
      tpu.vector_store %arg9[%swap3A_112], %add3A_111 {strides = array<i32>} : memref<128xi32, #tpu.memory_space<vmem>>, vector<16xi32>,
      %get3A_114 = arith.constant 80 : index
      %get3A_115 = tpu.vector_load %arg7[%get3A_114] {strides = array<i32>} : memref<128xi32, #tpu.memory_space<vmem>>, vector<16xi32>,
      %add3A_116 = arith.constant 20480 : i32
      %add3A_117 = vector.broadcast %add3A_116 : i32 to vector<16xi32>
      %add3A_118 = arith.addi %add3A_117, %mul3A_5 : vector<16xi32>
      %mul3A_119 = arith.constant 32 : i32
      %mul3A_120 = vector.broadcast %mul3A_119 : i32 to vector<16xi32>
      %mul3A_121 = arith.muli %get3A_115, %mul3A_120 : vector<16xi32>
      %add3A_122 = arith.addi %add3A_118, %mul3A_121 : vector<16xi32>
      %swap3A_123 = arith.constant 80 : index
      %swap3A_124 = tpu.vector_load %arg9[%swap3A_123] {strides = array<i32>} : memref<128xi32, #tpu.memory_space<vmem>>, vector<16xi32>,
      tpu.vector_store %arg9[%swap3A_123], %add3A_122 {strides = array<i32>} : memref<128xi32, #tpu.memory_space<vmem>>, vector<16xi32>,
      %get3A_125 = arith.constant 96 : index
      %get3A_126 = tpu.vector_load %arg7[%get3A_125] {strides = array<i32>} : memref<128xi32, #tpu.memory_space<vmem>>, vector<16xi32>,
      %add3A_127 = arith.constant 24576 : i32
      %add3A_128 = vector.broadcast %add3A_127 : i32 to vector<16xi32>
      %add3A_129 = arith.addi %add3A_128, %mul3A_5 : vector<16xi32>
      %mul3A_130 = arith.constant 32 : i32
      %mul3A_131 = vector.broadcast %mul3A_130 : i32 to vector<16xi32>
      %mul3A_132 = arith.muli %get3A_126, %mul3A_131 : vector<16xi32>
      %add3A_133 = arith.addi %add3A_129, %mul3A_132 : vector<16xi32>
      %swap3A_134 = arith.constant 96 : index
      %swap3A_135 = tpu.vector_load %arg9[%swap3A_134] {strides = array<i32>} : memref<128xi32, #tpu.memory_space<vmem>>, vector<16xi32>,
      tpu.vector_store %arg9[%swap3A_134], %add3A_133 {strides = array<i32>} : memref<128xi32, #tpu.memory_space<vmem>>, vector<16xi32>,
      %get3A_136 = arith.constant 112 : index
      %get3A_137 = tpu.vector_load %arg7[%get3A_136] {strides = array<i32>} : memref<128xi32, #tpu.memory_space<vmem>>, vector<16xi32>,
      %add3A_138 = arith.constant 28672 : i32
      %add3A_139 = vector.broadcast %add3A_138 : i32 to vector<16xi32>
      %add3A_140 = arith.addi %add3A_139, %mul3A_5 : vector<16xi32>
      %mul3A_141 = arith.constant 32 : i32
      %mul3A_142 = vector.broadcast %mul3A_141 : i32 to vector<16xi32>
      %mul3A_143 = arith.muli %get3A_137, %mul3A_142 : vector<16xi32>
      %add3A_144 = arith.addi %add3A_140, %mul3A_143 : vector<16xi32>
      %swap3A_145 = arith.constant 112 : index
      %swap3A_146 = tpu.vector_load %arg9[%swap3A_145] {strides = array<i32>} : memref<128xi32, #tpu.memory_space<vmem>>, vector<16xi32>,
      tpu.vector_store %arg9[%swap3A_145], %add3A_144 {strides = array<i32>} : memref<128xi32, #tpu.memory_space<vmem>>, vector<16xi32>,
      %scan3A_147 = arith.constant 0 : i32
      %scan3A_148 = arith.constant 0 : i32
      %scan3A_149 = arith.constant 8 : i32
      %scan3A_150 = arith.addi %scan3A_148, %scan3A_149 : i32
      %scan3A_151 = arith.constant 1 : i32
      %scan3A_152 = scf.for %scan3A_292 = %scan3A_148 to %scan3A_150 step %scan3A_151 iter_args(%scan3A_293 = %scan3A_147) -> (i32)  : i32 {
        %mul3A_294 = arith.constant 16 : i32
        %mul3A_295 = arith.muli %scan3A_292, %mul3A_294 : i32
        %get3A_296 = arith.index_cast %mul3A_295 : i32 to index
        %get3A_297 = tpu.vector_load %arg9[%get3A_296] {strides = array<i32>} : memref<128xi32, #tpu.memory_space<vmem>>, vector<16xi32>,
        %slice3A = vector.extract_strided_slice %get3A_297 {offsets = [0], sizes = [1], strides = [1]} : vector<16xi32> to vector<1xi32>
        %squeeze3A = vector.extract %slice3A[0] : i32 from vector<1xi32>
        %mul3A_298 = arith.constant 16 : i32
        %mul3A_299 = arith.muli %scan3A_292, %mul3A_298 : i32
        %add3A_300 = arith.constant 0 : i32
        %add3A_301 = arith.addi %mul3A_299, %add3A_300 : i32
        %mul3A_302 = arith.constant 32 : i32
        %mul3A_303 = arith.muli %add3A_301, %mul3A_302 : i32
        %get3A_304 = arith.index_cast %mul3A_303 : i32 to index
        %get3A_305 = tpu.vector_load %arg5[%get3A_304] {strides = array<i32>} : memref<4096xf32, #tpu.memory_space<vmem>>, vector<16xf32>,
        %swap3A_306 = arith.index_cast %squeeze3A : i32 to index
        %swap3A_307 = tpu.vector_load %arg11[%swap3A_306] {strides = array<i32>} : memref<32768xf32, #tpu.memory_space<vmem>>, vector<16xf32>,
        tpu.vector_store %arg11[%swap3A_306], %get3A_305 {strides = array<i32>} : memref<32768xf32, #tpu.memory_space<vmem>>, vector<16xf32>,
        %mul3A_308 = arith.constant 32 : i32
        %mul3A_309 = arith.muli %add3A_301, %mul3A_308 : i32
        %add3A_310 = arith.constant 16 : i32
        %add3A_311 = arith.addi %mul3A_309, %add3A_310 : i32
        %get3A_312 = arith.index_cast %add3A_311 : i32 to index
        %get3A_313 = tpu.vector_load %arg5[%get3A_312] {strides = array<i32>} : memref<4096xf32, #tpu.memory_space<vmem>>, vector<16xf32>,
        %add3A_314 = arith.constant 16 : i32
        %add3A_315 = arith.addi %squeeze3A, %add3A_314 : i32
        %swap3A_316 = arith.index_cast %add3A_315 : i32 to index
        %swap3A_317 = tpu.vector_load %arg11[%swap3A_316] {strides = array<i32>} : memref<32768xf32, #tpu.memory_space<vmem>>, vector<16xf32>,
        tpu.vector_store %arg11[%swap3A_316], %get3A_313 {strides = array<i32>} : memref<32768xf32, #tpu.memory_space<vmem>>, vector<16xf32>,
        %slice3A_318 = vector.extract_strided_slice %get3A_297 {offsets = [1], sizes = [1], strides = [1]} : vector<16xi32> to vector<1xi32>
        %squeeze3A_319 = vector.extract %slice3A_318[0] : i32 from vector<1xi32>
        %mul3A_320 = arith.constant 16 : i32
        %mul3A_321 = arith.muli %scan3A_292, %mul3A_320 : i32
        %add3A_322 = arith.constant 1 : i32
        %add3A_323 = arith.addi %mul3A_321, %add3A_322 : i32
        %mul3A_324 = arith.constant 32 : i32
        %mul3A_325 = arith.muli %add3A_323, %mul3A_324 : i32
        %get3A_326 = arith.index_cast %mul3A_325 : i32 to index
        %get3A_327 = tpu.vector_load %arg5[%get3A_326] {strides = array<i32>} : memref<4096xf32, #tpu.memory_space<vmem>>, vector<16xf32>,
        %swap3A_328 = arith.index_cast %squeeze3A_319 : i32 to index
        %swap3A_329 = tpu.vector_load %arg11[%swap3A_328] {strides = array<i32>} : memref<32768xf32, #tpu.memory_space<vmem>>, vector<16xf32>,
        tpu.vector_store %arg11[%swap3A_328], %get3A_327 {strides = array<i32>} : memref<32768xf32, #tpu.memory_space<vmem>>, vector<16xf32>,
        %mul3A_330 = arith.constant 32 : i32
        %mul3A_331 = arith.muli %add3A_323, %mul3A_330 : i32
        %add3A_332 = arith.constant 16 : i32
        %add3A_333 = arith.addi %mul3A_331, %add3A_332 : i32
        %get3A_334 = arith.index_cast %add3A_333 : i32 to index
        %get3A_335 = tpu.vector_load %arg5[%get3A_334] {strides = array<i32>} : memref<4096xf32, #tpu.memory_space<vmem>>, vector<16xf32>,
        %add3A_336 = arith.constant 16 : i32
        %add3A_337 = arith.addi %squeeze3A_319, %add3A_336 : i32
        %swap3A_338 = arith.index_cast %add3A_337 : i32 to index
        %swap3A_339 = tpu.vector_load %arg11[%swap3A_338] {strides = array<i32>} : memref<32768xf32, #tpu.memory_space<vmem>>, vector<16xf32>,
        tpu.vector_store %arg11[%swap3A_338], %get3A_335 {strides = array<i32>} : memref<32768xf32, #tpu.memory_space<vmem>>, vector<16xf32>,
        %slice3A_340 = vector.extract_strided_slice %get3A_297 {offsets = [2], sizes = [1], strides = [1]} : vector<16xi32> to vector<1xi32>
        %squeeze3A_341 = vector.extract %slice3A_340[0] : i32 from vector<1xi32>
        %mul3A_342 = arith.constant 16 : i32
        %mul3A_343 = arith.muli %scan3A_292, %mul3A_342 : i32
        %add3A_344 = arith.constant 2 : i32
        %add3A_345 = arith.addi %mul3A_343, %add3A_344 : i32
        %mul3A_346 = arith.constant 32 : i32
        %mul3A_347 = arith.muli %add3A_345, %mul3A_346 : i32
        %get3A_348 = arith.index_cast %mul3A_347 : i32 to index
        %get3A_349 = tpu.vector_load %arg5[%get3A_348] {strides = array<i32>} : memref<4096xf32, #tpu.memory_space<vmem>>, vector<16xf32>,
        %swap3A_350 = arith.index_cast %squeeze3A_341 : i32 to index
        %swap3A_351 = tpu.vector_load %arg11[%swap3A_350] {strides = array<i32>} : memref<32768xf32, #tpu.memory_space<vmem>>, vector<16xf32>,
        tpu.vector_store %arg11[%swap3A_350], %get3A_349 {strides = array<i32>} : memref<32768xf32, #tpu.memory_space<vmem>>, vector<16xf32>,
        %mul3A_352 = arith.constant 32 : i32
        %mul3A_353 = arith.muli %add3A_345, %mul3A_352 : i32
        %add3A_354 = arith.constant 16 : i32
        %add3A_355 = arith.addi %mul3A_353, %add3A_354 : i32
        %get3A_356 = arith.index_cast %add3A_355 : i32 to index
        %get3A_357 = tpu.vector_load %arg5[%get3A_356] {strides = array<i32>} : memref<4096xf32, #tpu.memory_space<vmem>>, vector<16xf32>,
        %add3A_358 = arith.constant 16 : i32
        %add3A_359 = arith.addi %squeeze3A_341, %add3A_358 : i32
        %swap3A_360 = arith.index_cast %add3A_359 : i32 to index
        %swap3A_361 = tpu.vector_load %arg11[%swap3A_360] {strides = array<i32>} : memref<32768xf32, #tpu.memory_space<vmem>>, vector<16xf32>,
        tpu.vector_store %arg11[%swap3A_360], %get3A_357 {strides = array<i32>} : memref<32768xf32, #tpu.memory_space<vmem>>, vector<16xf32>,
        %slice3A_362 = vector.extract_strided_slice %get3A_297 {offsets = [3], sizes = [1], strides = [1]} : vector<16xi32> to vector<1xi32>
        %squeeze3A_363 = vector.extract %slice3A_362[0] : i32 from vector<1xi32>
        %mul3A_364 = arith.constant 16 : i32
        %mul3A_365 = arith.muli %scan3A_292, %mul3A_364 : i32
        %add3A_366 = arith.constant 3 : i32
        %add3A_367 = arith.addi %mul3A_365, %add3A_366 : i32
        %mul3A_368 = arith.constant 32 : i32
        %mul3A_369 = arith.muli %add3A_367, %mul3A_368 : i32
        %get3A_370 = arith.index_cast %mul3A_369 : i32 to index
        %get3A_371 = tpu.vector_load %arg5[%get3A_370] {strides = array<i32>} : memref<4096xf32, #tpu.memory_space<vmem>>, vector<16xf32>,
        %swap3A_372 = arith.index_cast %squeeze3A_363 : i32 to index
        %swap3A_373 = tpu.vector_load %arg11[%swap3A_372] {strides = array<i32>} : memref<32768xf32, #tpu.memory_space<vmem>>, vector<16xf32>,
        tpu.vector_store %arg11[%swap3A_372], %get3A_371 {strides = array<i32>} : memref<32768xf32, #tpu.memory_space<vmem>>, vector<16xf32>,
        %mul3A_374 = arith.constant 32 : i32
        %mul3A_375 = arith.muli %add3A_367, %mul3A_374 : i32
        %add3A_376 = arith.constant 16 : i32
        %add3A_377 = arith.addi %mul3A_375, %add3A_376 : i32
        %get3A_378 = arith.index_cast %add3A_377 : i32 to index
        %get3A_379 = tpu.vector_load %arg5[%get3A_378] {strides = array<i32>} : memref<4096xf32, #tpu.memory_space<vmem>>, vector<16xf32>,
        %add3A_380 = arith.constant 16 : i32
        %add3A_381 = arith.addi %squeeze3A_363, %add3A_380 : i32
        %swap3A_382 = arith.index_cast %add3A_381 : i32 to index
        %swap3A_383 = tpu.vector_load %arg11[%swap3A_382] {strides = array<i32>} : memref<32768xf32, #tpu.memory_space<vmem>>, vector<16xf32>,
        tpu.vector_store %arg11[%swap3A_382], %get3A_379 {strides = array<i32>} : memref<32768xf32, #tpu.memory_space<vmem>>, vector<16xf32>,
        %slice3A_384 = vector.extract_strided_slice %get3A_297 {offsets = [4], sizes = [1], strides = [1]} : vector<16xi32> to vector<1xi32>
        %squeeze3A_385 = vector.extract %slice3A_384[0] : i32 from vector<1xi32>
        %mul3A_386 = arith.constant 16 : i32
        %mul3A_387 = arith.muli %scan3A_292, %mul3A_386 : i32
        %add3A_388 = arith.constant 4 : i32
        %add3A_389 = arith.addi %mul3A_387, %add3A_388 : i32
        %mul3A_390 = arith.constant 32 : i32
        %mul3A_391 = arith.muli %add3A_389, %mul3A_390 : i32
        %get3A_392 = arith.index_cast %mul3A_391 : i32 to index
        %get3A_393 = tpu.vector_load %arg5[%get3A_392] {strides = array<i32>} : memref<4096xf32, #tpu.memory_space<vmem>>, vector<16xf32>,
        %swap3A_394 = arith.index_cast %squeeze3A_385 : i32 to index
        %swap3A_395 = tpu.vector_load %arg11[%swap3A_394] {strides = array<i32>} : memref<32768xf32, #tpu.memory_space<vmem>>, vector<16xf32>,
        tpu.vector_store %arg11[%swap3A_394], %get3A_393 {strides = array<i32>} : memref<32768xf32, #tpu.memory_space<vmem>>, vector<16xf32>,
        %mul3A_396 = arith.constant 32 : i32
        %mul3A_397 = arith.muli %add3A_389, %mul3A_396 : i32
        %add3A_398 = arith.constant 16 : i32
        %add3A_399 = arith.addi %mul3A_397, %add3A_398 : i32
        %get3A_400 = arith.index_cast %add3A_399 : i32 to index
        %get3A_401 = tpu.vector_load %arg5[%get3A_400] {strides = array<i32>} : memref<4096xf32, #tpu.memory_space<vmem>>, vector<16xf32>,
        %add3A_402 = arith.constant 16 : i32
        %add3A_403 = arith.addi %squeeze3A_385, %add3A_402 : i32
        %swap3A_404 = arith.index_cast %add3A_403 : i32 to index
        %swap3A_405 = tpu.vector_load %arg11[%swap3A_404] {strides = array<i32>} : memref<32768xf32, #tpu.memory_space<vmem>>, vector<16xf32>,
        tpu.vector_store %arg11[%swap3A_404], %get3A_401 {strides = array<i32>} : memref<32768xf32, #tpu.memory_space<vmem>>, vector<16xf32>,
        %slice3A_406 = vector.extract_strided_slice %get3A_297 {offsets = [5], sizes = [1], strides = [1]} : vector<16xi32> to vector<1xi32>
        %squeeze3A_407 = vector.extract %slice3A_406[0] : i32 from vector<1xi32>
        %mul3A_408 = arith.constant 16 : i32
        %mul3A_409 = arith.muli %scan3A_292, %mul3A_408 : i32
        %add3A_410 = arith.constant 5 : i32
        %add3A_411 = arith.addi %mul3A_409, %add3A_410 : i32
        %mul3A_412 = arith.constant 32 : i32
        %mul3A_413 = arith.muli %add3A_411, %mul3A_412 : i32
        %get3A_414 = arith.index_cast %mul3A_413 : i32 to index
        %get3A_415 = tpu.vector_load %arg5[%get3A_414] {strides = array<i32>} : memref<4096xf32, #tpu.memory_space<vmem>>, vector<16xf32>,
        %swap3A_416 = arith.index_cast %squeeze3A_407 : i32 to index
        %swap3A_417 = tpu.vector_load %arg11[%swap3A_416] {strides = array<i32>} : memref<32768xf32, #tpu.memory_space<vmem>>, vector<16xf32>,
        tpu.vector_store %arg11[%swap3A_416], %get3A_415 {strides = array<i32>} : memref<32768xf32, #tpu.memory_space<vmem>>, vector<16xf32>,
        %mul3A_418 = arith.constant 32 : i32
        %mul3A_419 = arith.muli %add3A_411, %mul3A_418 : i32
        %add3A_420 = arith.constant 16 : i32
        %add3A_421 = arith.addi %mul3A_419, %add3A_420 : i32
        %get3A_422 = arith.index_cast %add3A_421 : i32 to index
        %get3A_423 = tpu.vector_load %arg5[%get3A_422] {strides = array<i32>} : memref<4096xf32, #tpu.memory_space<vmem>>, vector<16xf32>,
        %add3A_424 = arith.constant 16 : i32
        %add3A_425 = arith.addi %squeeze3A_407, %add3A_424 : i32
        %swap3A_426 = arith.index_cast %add3A_425 : i32 to index
        %swap3A_427 = tpu.vector_load %arg11[%swap3A_426] {strides = array<i32>} : memref<32768xf32, #tpu.memory_space<vmem>>, vector<16xf32>,
        tpu.vector_store %arg11[%swap3A_426], %get3A_423 {strides = array<i32>} : memref<32768xf32, #tpu.memory_space<vmem>>, vector<16xf32>,
        %slice3A_428 = vector.extract_strided_slice %get3A_297 {offsets = [6], sizes = [1], strides = [1]} : vector<16xi32> to vector<1xi32>
        %squeeze3A_429 = vector.extract %slice3A_428[0] : i32 from vector<1xi32>
        %mul3A_430 = arith.constant 16 : i32
        %mul3A_431 = arith.muli %scan3A_292, %mul3A_430 : i32
        %add3A_432 = arith.constant 6 : i32
        %add3A_433 = arith.addi %mul3A_431, %add3A_432 : i32
        %mul3A_434 = arith.constant 32 : i32
        %mul3A_435 = arith.muli %add3A_433, %mul3A_434 : i32
        %get3A_436 = arith.index_cast %mul3A_435 : i32 to index
        %get3A_437 = tpu.vector_load %arg5[%get3A_436] {strides = array<i32>} : memref<4096xf32, #tpu.memory_space<vmem>>, vector<16xf32>,
        %swap3A_438 = arith.index_cast %squeeze3A_429 : i32 to index
        %swap3A_439 = tpu.vector_load %arg11[%swap3A_438] {strides = array<i32>} : memref<32768xf32, #tpu.memory_space<vmem>>, vector<16xf32>,
        tpu.vector_store %arg11[%swap3A_438], %get3A_437 {strides = array<i32>} : memref<32768xf32, #tpu.memory_space<vmem>>, vector<16xf32>,
        %mul3A_440 = arith.constant 32 : i32
        %mul3A_441 = arith.muli %add3A_433, %mul3A_440 : i32
        %add3A_442 = arith.constant 16 : i32
        %add3A_443 = arith.addi %mul3A_441, %add3A_442 : i32
        %get3A_444 = arith.index_cast %add3A_443 : i32 to index
        %get3A_445 = tpu.vector_load %arg5[%get3A_444] {strides = array<i32>} : memref<4096xf32, #tpu.memory_space<vmem>>, vector<16xf32>,
        %add3A_446 = arith.constant 16 : i32
        %add3A_447 = arith.addi %squeeze3A_429, %add3A_446 : i32
        %swap3A_448 = arith.index_cast %add3A_447 : i32 to index
        %swap3A_449 = tpu.vector_load %arg11[%swap3A_448] {strides = array<i32>} : memref<32768xf32, #tpu.memory_space<vmem>>, vector<16xf32>,
        tpu.vector_store %arg11[%swap3A_448], %get3A_445 {strides = array<i32>} : memref<32768xf32, #tpu.memory_space<vmem>>, vector<16xf32>,
        %slice3A_450 = vector.extract_strided_slice %get3A_297 {offsets = [7], sizes = [1], strides = [1]} : vector<16xi32> to vector<1xi32>
        %squeeze3A_451 = vector.extract %slice3A_450[0] : i32 from vector<1xi32>
        %mul3A_452 = arith.constant 16 : i32
        %mul3A_453 = arith.muli %scan3A_292, %mul3A_452 : i32
        %add3A_454 = arith.constant 7 : i32
        %add3A_455 = arith.addi %mul3A_453, %add3A_454 : i32
        %mul3A_456 = arith.constant 32 : i32
        %mul3A_457 = arith.muli %add3A_455, %mul3A_456 : i32
        %get3A_458 = arith.index_cast %mul3A_457 : i32 to index
        %get3A_459 = tpu.vector_load %arg5[%get3A_458] {strides = array<i32>} : memref<4096xf32, #tpu.memory_space<vmem>>, vector<16xf32>,
        %swap3A_460 = arith.index_cast %squeeze3A_451 : i32 to index
        %swap3A_461 = tpu.vector_load %arg11[%swap3A_460] {strides = array<i32>} : memref<32768xf32, #tpu.memory_space<vmem>>, vector<16xf32>,
        tpu.vector_store %arg11[%swap3A_460], %get3A_459 {strides = array<i32>} : memref<32768xf32, #tpu.memory_space<vmem>>, vector<16xf32>,
        %mul3A_462 = arith.constant 32 : i32
        %mul3A_463 = arith.muli %add3A_455, %mul3A_462 : i32
        %add3A_464 = arith.constant 16 : i32
        %add3A_465 = arith.addi %mul3A_463, %add3A_464 : i32
        %get3A_466 = arith.index_cast %add3A_465 : i32 to index
        %get3A_467 = tpu.vector_load %arg5[%get3A_466] {strides = array<i32>} : memref<4096xf32, #tpu.memory_space<vmem>>, vector<16xf32>,
        %add3A_468 = arith.constant 16 : i32
        %add3A_469 = arith.addi %squeeze3A_451, %add3A_468 : i32
        %swap3A_470 = arith.index_cast %add3A_469 : i32 to index
        %swap3A_471 = tpu.vector_load %arg11[%swap3A_470] {strides = array<i32>} : memref<32768xf32, #tpu.memory_space<vmem>>, vector<16xf32>,
        tpu.vector_store %arg11[%swap3A_470], %get3A_467 {strides = array<i32>} : memref<32768xf32, #tpu.memory_space<vmem>>, vector<16xf32>,
        %slice3A_472 = vector.extract_strided_slice %get3A_297 {offsets = [8], sizes = [1], strides = [1]} : vector<16xi32> to vector<1xi32>
        %squeeze3A_473 = vector.extract %slice3A_472[0] : i32 from vector<1xi32>
        %mul3A_474 = arith.constant 16 : i32
        %mul3A_475 = arith.muli %scan3A_292, %mul3A_474 : i32
        %add3A_476 = arith.constant 8 : i32
        %add3A_477 = arith.addi %mul3A_475, %add3A_476 : i32
        %mul3A_478 = arith.constant 32 : i32
        %mul3A_479 = arith.muli %add3A_477, %mul3A_478 : i32
        %get3A_480 = arith.index_cast %mul3A_479 : i32 to index
        %get3A_481 = tpu.vector_load %arg5[%get3A_480] {strides = array<i32>} : memref<4096xf32, #tpu.memory_space<vmem>>, vector<16xf32>,
        %swap3A_482 = arith.index_cast %squeeze3A_473 : i32 to index
        %swap3A_483 = tpu.vector_load %arg11[%swap3A_482] {strides = array<i32>} : memref<32768xf32, #tpu.memory_space<vmem>>, vector<16xf32>,
        tpu.vector_store %arg11[%swap3A_482], %get3A_481 {strides = array<i32>} : memref<32768xf32, #tpu.memory_space<vmem>>, vector<16xf32>,
        %mul3A_484 = arith.constant 32 : i32
        %mul3A_485 = arith.muli %add3A_477, %mul3A_484 : i32
        %add3A_486 = arith.constant 16 : i32
        %add3A_487 = arith.addi %mul3A_485, %add3A_486 : i32
        %get3A_488 = arith.index_cast %add3A_487 : i32 to index
        %get3A_489 = tpu.vector_load %arg5[%get3A_488] {strides = array<i32>} : memref<4096xf32, #tpu.memory_space<vmem>>, vector<16xf32>,
        %add3A_490 = arith.constant 16 : i32
        %add3A_491 = arith.addi %squeeze3A_473, %add3A_490 : i32
        %swap3A_492 = arith.index_cast %add3A_491 : i32 to index
        %swap3A_493 = tpu.vector_load %arg11[%swap3A_492] {strides = array<i32>} : memref<32768xf32, #tpu.memory_space<vmem>>, vector<16xf32>,
        tpu.vector_store %arg11[%swap3A_492], %get3A_489 {strides = array<i32>} : memref<32768xf32, #tpu.memory_space<vmem>>, vector<16xf32>,
        %slice3A_494 = vector.extract_strided_slice %get3A_297 {offsets = [9], sizes = [1], strides = [1]} : vector<16xi32> to vector<1xi32>
        %squeeze3A_495 = vector.extract %slice3A_494[0] : i32 from vector<1xi32>
        %mul3A_496 = arith.constant 16 : i32
        %mul3A_497 = arith.muli %scan3A_292, %mul3A_496 : i32
        %add3A_498 = arith.constant 9 : i32
        %add3A_499 = arith.addi %mul3A_497, %add3A_498 : i32
        %mul3A_500 = arith.constant 32 : i32
        %mul3A_501 = arith.muli %add3A_499, %mul3A_500 : i32
        %get3A_502 = arith.index_cast %mul3A_501 : i32 to index
        %get3A_503 = tpu.vector_load %arg5[%get3A_502] {strides = array<i32>} : memref<4096xf32, #tpu.memory_space<vmem>>, vector<16xf32>,
        %swap3A_504 = arith.index_cast %squeeze3A_495 : i32 to index
        %swap3A_505 = tpu.vector_load %arg11[%swap3A_504] {strides = array<i32>} : memref<32768xf32, #tpu.memory_space<vmem>>, vector<16xf32>,
        tpu.vector_store %arg11[%swap3A_504], %get3A_503 {strides = array<i32>} : memref<32768xf32, #tpu.memory_space<vmem>>, vector<16xf32>,
        %mul3A_506 = arith.constant 32 : i32
        %mul3A_507 = arith.muli %add3A_499, %mul3A_506 : i32
        %add3A_508 = arith.constant 16 : i32
        %add3A_509 = arith.addi %mul3A_507, %add3A_508 : i32
        %get3A_510 = arith.index_cast %add3A_509 : i32 to index
        %get3A_511 = tpu.vector_load %arg5[%get3A_510] {strides = array<i32>} : memref<4096xf32, #tpu.memory_space<vmem>>, vector<16xf32>,
        %add3A_512 = arith.constant 16 : i32
        %add3A_513 = arith.addi %squeeze3A_495, %add3A_512 : i32
        %swap3A_514 = arith.index_cast %add3A_513 : i32 to index
        %swap3A_515 = tpu.vector_load %arg11[%swap3A_514] {strides = array<i32>} : memref<32768xf32, #tpu.memory_space<vmem>>, vector<16xf32>,
        tpu.vector_store %arg11[%swap3A_514], %get3A_511 {strides = array<i32>} : memref<32768xf32, #tpu.memory_space<vmem>>, vector<16xf32>,
        %slice3A_516 = vector.extract_strided_slice %get3A_297 {offsets = [10], sizes = [1], strides = [1]} : vector<16xi32> to vector<1xi32>
        %squeeze3A_517 = vector.extract %slice3A_516[0] : i32 from vector<1xi32>
        %mul3A_518 = arith.constant 16 : i32
        %mul3A_519 = arith.muli %scan3A_292, %mul3A_518 : i32
        %add3A_520 = arith.constant 10 : i32
        %add3A_521 = arith.addi %mul3A_519, %add3A_520 : i32
        %mul3A_522 = arith.constant 32 : i32
        %mul3A_523 = arith.muli %add3A_521, %mul3A_522 : i32
        %get3A_524 = arith.index_cast %mul3A_523 : i32 to index
        %get3A_525 = tpu.vector_load %arg5[%get3A_524] {strides = array<i32>} : memref<4096xf32, #tpu.memory_space<vmem>>, vector<16xf32>,
        %swap3A_526 = arith.index_cast %squeeze3A_517 : i32 to index
        %swap3A_527 = tpu.vector_load %arg11[%swap3A_526] {strides = array<i32>} : memref<32768xf32, #tpu.memory_space<vmem>>, vector<16xf32>,
        tpu.vector_store %arg11[%swap3A_526], %get3A_525 {strides = array<i32>} : memref<32768xf32, #tpu.memory_space<vmem>>, vector<16xf32>,
        %mul3A_528 = arith.constant 32 : i32
        %mul3A_529 = arith.muli %add3A_521, %mul3A_528 : i32
        %add3A_530 = arith.constant 16 : i32
        %add3A_531 = arith.addi %mul3A_529, %add3A_530 : i32
        %get3A_532 = arith.index_cast %add3A_531 : i32 to index
        %get3A_533 = tpu.vector_load %arg5[%get3A_532] {strides = array<i32>} : memref<4096xf32, #tpu.memory_space<vmem>>, vector<16xf32>,
        %add3A_534 = arith.constant 16 : i32
        %add3A_535 = arith.addi %squeeze3A_517, %add3A_534 : i32
        %swap3A_536 = arith.index_cast %add3A_535 : i32 to index
        %swap3A_537 = tpu.vector_load %arg11[%swap3A_536] {strides = array<i32>} : memref<32768xf32, #tpu.memory_space<vmem>>, vector<16xf32>,
        tpu.vector_store %arg11[%swap3A_536], %get3A_533 {strides = array<i32>} : memref<32768xf32, #tpu.memory_space<vmem>>, vector<16xf32>,
        %slice3A_538 = vector.extract_strided_slice %get3A_297 {offsets = [11], sizes = [1], strides = [1]} : vector<16xi32> to vector<1xi32>
        %squeeze3A_539 = vector.extract %slice3A_538[0] : i32 from vector<1xi32>
        %mul3A_540 = arith.constant 16 : i32
        %mul3A_541 = arith.muli %scan3A_292, %mul3A_540 : i32
        %add3A_542 = arith.constant 11 : i32
        %add3A_543 = arith.addi %mul3A_541, %add3A_542 : i32
        %mul3A_544 = arith.constant 32 : i32
        %mul3A_545 = arith.muli %add3A_543, %mul3A_544 : i32
        %get3A_546 = arith.index_cast %mul3A_545 : i32 to index
        %get3A_547 = tpu.vector_load %arg5[%get3A_546] {strides = array<i32>} : memref<4096xf32, #tpu.memory_space<vmem>>, vector<16xf32>,
        %swap3A_548 = arith.index_cast %squeeze3A_539 : i32 to index
        %swap3A_549 = tpu.vector_load %arg11[%swap3A_548] {strides = array<i32>} : memref<32768xf32, #tpu.memory_space<vmem>>, vector<16xf32>,
        tpu.vector_store %arg11[%swap3A_548], %get3A_547 {strides = array<i32>} : memref<32768xf32, #tpu.memory_space<vmem>>, vector<16xf32>,
        %mul3A_550 = arith.constant 32 : i32
        %mul3A_551 = arith.muli %add3A_543, %mul3A_550 : i32
        %add3A_552 = arith.constant 16 : i32
        %add3A_553 = arith.addi %mul3A_551, %add3A_552 : i32
        %get3A_554 = arith.index_cast %add3A_553 : i32 to index
        %get3A_555 = tpu.vector_load %arg5[%get3A_554] {strides = array<i32>} : memref<4096xf32, #tpu.memory_space<vmem>>, vector<16xf32>,
        %add3A_556 = arith.constant 16 : i32
        %add3A_557 = arith.addi %squeeze3A_539, %add3A_556 : i32
        %swap3A_558 = arith.index_cast %add3A_557 : i32 to index
        %swap3A_559 = tpu.vector_load %arg11[%swap3A_558] {strides = array<i32>} : memref<32768xf32, #tpu.memory_space<vmem>>, vector<16xf32>,
        tpu.vector_store %arg11[%swap3A_558], %get3A_555 {strides = array<i32>} : memref<32768xf32, #tpu.memory_space<vmem>>, vector<16xf32>,
        %slice3A_560 = vector.extract_strided_slice %get3A_297 {offsets = [12], sizes = [1], strides = [1]} : vector<16xi32> to vector<1xi32>
        %squeeze3A_561 = vector.extract %slice3A_560[0] : i32 from vector<1xi32>
        %mul3A_562 = arith.constant 16 : i32
        %mul3A_563 = arith.muli %scan3A_292, %mul3A_562 : i32
        %add3A_564 = arith.constant 12 : i32
        %add3A_565 = arith.addi %mul3A_563, %add3A_564 : i32
        %mul3A_566 = arith.constant 32 : i32
        %mul3A_567 = arith.muli %add3A_565, %mul3A_566 : i32
        %get3A_568 = arith.index_cast %mul3A_567 : i32 to index
        %get3A_569 = tpu.vector_load %arg5[%get3A_568] {strides = array<i32>} : memref<4096xf32, #tpu.memory_space<vmem>>, vector<16xf32>,
        %swap3A_570 = arith.index_cast %squeeze3A_561 : i32 to index
        %swap3A_571 = tpu.vector_load %arg11[%swap3A_570] {strides = array<i32>} : memref<32768xf32, #tpu.memory_space<vmem>>, vector<16xf32>,
        tpu.vector_store %arg11[%swap3A_570], %get3A_569 {strides = array<i32>} : memref<32768xf32, #tpu.memory_space<vmem>>, vector<16xf32>,
        %mul3A_572 = arith.constant 32 : i32
        %mul3A_573 = arith.muli %add3A_565, %mul3A_572 : i32
        %add3A_574 = arith.constant 16 : i32
        %add3A_575 = arith.addi %mul3A_573, %add3A_574 : i32
        %get3A_576 = arith.index_cast %add3A_575 : i32 to index
        %get3A_577 = tpu.vector_load %arg5[%get3A_576] {strides = array<i32>} : memref<4096xf32, #tpu.memory_space<vmem>>, vector<16xf32>,
        %add3A_578 = arith.constant 16 : i32
        %add3A_579 = arith.addi %squeeze3A_561, %add3A_578 : i32
        %swap3A_580 = arith.index_cast %add3A_579 : i32 to index
        %swap3A_581 = tpu.vector_load %arg11[%swap3A_580] {strides = array<i32>} : memref<32768xf32, #tpu.memory_space<vmem>>, vector<16xf32>,
        tpu.vector_store %arg11[%swap3A_580], %get3A_577 {strides = array<i32>} : memref<32768xf32, #tpu.memory_space<vmem>>, vector<16xf32>,
        %slice3A_582 = vector.extract_strided_slice %get3A_297 {offsets = [13], sizes = [1], strides = [1]} : vector<16xi32> to vector<1xi32>
        %squeeze3A_583 = vector.extract %slice3A_582[0] : i32 from vector<1xi32>
        %mul3A_584 = arith.constant 16 : i32
        %mul3A_585 = arith.muli %scan3A_292, %mul3A_584 : i32
        %add3A_586 = arith.constant 13 : i32
        %add3A_587 = arith.addi %mul3A_585, %add3A_586 : i32
        %mul3A_588 = arith.constant 32 : i32
        %mul3A_589 = arith.muli %add3A_587, %mul3A_588 : i32
        %get3A_590 = arith.index_cast %mul3A_589 : i32 to index
        %get3A_591 = tpu.vector_load %arg5[%get3A_590] {strides = array<i32>} : memref<4096xf32, #tpu.memory_space<vmem>>, vector<16xf32>,
        %swap3A_592 = arith.index_cast %squeeze3A_583 : i32 to index
        %swap3A_593 = tpu.vector_load %arg11[%swap3A_592] {strides = array<i32>} : memref<32768xf32, #tpu.memory_space<vmem>>, vector<16xf32>,
        tpu.vector_store %arg11[%swap3A_592], %get3A_591 {strides = array<i32>} : memref<32768xf32, #tpu.memory_space<vmem>>, vector<16xf32>,
        %mul3A_594 = arith.constant 32 : i32
        %mul3A_595 = arith.muli %add3A_587, %mul3A_594 : i32
        %add3A_596 = arith.constant 16 : i32
        %add3A_597 = arith.addi %mul3A_595, %add3A_596 : i32
        %get3A_598 = arith.index_cast %add3A_597 : i32 to index
        %get3A_599 = tpu.vector_load %arg5[%get3A_598] {strides = array<i32>} : memref<4096xf32, #tpu.memory_space<vmem>>, vector<16xf32>,
        %add3A_600 = arith.constant 16 : i32
        %add3A_601 = arith.addi %squeeze3A_583, %add3A_600 : i32
        %swap3A_602 = arith.index_cast %add3A_601 : i32 to index
        %swap3A_603 = tpu.vector_load %arg11[%swap3A_602] {strides = array<i32>} : memref<32768xf32, #tpu.memory_space<vmem>>, vector<16xf32>,
        tpu.vector_store %arg11[%swap3A_602], %get3A_599 {strides = array<i32>} : memref<32768xf32, #tpu.memory_space<vmem>>, vector<16xf32>,
        %slice3A_604 = vector.extract_strided_slice %get3A_297 {offsets = [14], sizes = [1], strides = [1]} : vector<16xi32> to vector<1xi32>
        %squeeze3A_605 = vector.extract %slice3A_604[0] : i32 from vector<1xi32>
        %mul3A_606 = arith.constant 16 : i32
        %mul3A_607 = arith.muli %scan3A_292, %mul3A_606 : i32
        %add3A_608 = arith.constant 14 : i32
        %add3A_609 = arith.addi %mul3A_607, %add3A_608 : i32
        %mul3A_610 = arith.constant 32 : i32
        %mul3A_611 = arith.muli %add3A_609, %mul3A_610 : i32
        %get3A_612 = arith.index_cast %mul3A_611 : i32 to index
        %get3A_613 = tpu.vector_load %arg5[%get3A_612] {strides = array<i32>} : memref<4096xf32, #tpu.memory_space<vmem>>, vector<16xf32>,
        %swap3A_614 = arith.index_cast %squeeze3A_605 : i32 to index
        %swap3A_615 = tpu.vector_load %arg11[%swap3A_614] {strides = array<i32>} : memref<32768xf32, #tpu.memory_space<vmem>>, vector<16xf32>,
        tpu.vector_store %arg11[%swap3A_614], %get3A_613 {strides = array<i32>} : memref<32768xf32, #tpu.memory_space<vmem>>, vector<16xf32>,
        %mul3A_616 = arith.constant 32 : i32
        %mul3A_617 = arith.muli %add3A_609, %mul3A_616 : i32
        %add3A_618 = arith.constant 16 : i32
        %add3A_619 = arith.addi %mul3A_617, %add3A_618 : i32
        %get3A_620 = arith.index_cast %add3A_619 : i32 to index
        %get3A_621 = tpu.vector_load %arg5[%get3A_620] {strides = array<i32>} : memref<4096xf32, #tpu.memory_space<vmem>>, vector<16xf32>,
        %add3A_622 = arith.constant 16 : i32
        %add3A_623 = arith.addi %squeeze3A_605, %add3A_622 : i32
        %swap3A_624 = arith.index_cast %add3A_623 : i32 to index
        %swap3A_625 = tpu.vector_load %arg11[%swap3A_624] {strides = array<i32>} : memref<32768xf32, #tpu.memory_space<vmem>>, vector<16xf32>,
        tpu.vector_store %arg11[%swap3A_624], %get3A_621 {strides = array<i32>} : memref<32768xf32, #tpu.memory_space<vmem>>, vector<16xf32>,
        %slice3A_626 = vector.extract_strided_slice %get3A_297 {offsets = [15], sizes = [1], strides = [1]} : vector<16xi32> to vector<1xi32>
        %squeeze3A_627 = vector.extract %slice3A_626[0] : i32 from vector<1xi32>
        %mul3A_628 = arith.constant 16 : i32
        %mul3A_629 = arith.muli %scan3A_292, %mul3A_628 : i32
        %add3A_630 = arith.constant 15 : i32
        %add3A_631 = arith.addi %mul3A_629, %add3A_630 : i32
        %mul3A_632 = arith.constant 32 : i32
        %mul3A_633 = arith.muli %add3A_631, %mul3A_632 : i32
        %get3A_634 = arith.index_cast %mul3A_633 : i32 to index
        %get3A_635 = tpu.vector_load %arg5[%get3A_634] {strides = array<i32>} : memref<4096xf32, #tpu.memory_space<vmem>>, vector<16xf32>,
        %swap3A_636 = arith.index_cast %squeeze3A_627 : i32 to index
        %swap3A_637 = tpu.vector_load %arg11[%swap3A_636] {strides = array<i32>} : memref<32768xf32, #tpu.memory_space<vmem>>, vector<16xf32>,
        tpu.vector_store %arg11[%swap3A_636], %get3A_635 {strides = array<i32>} : memref<32768xf32, #tpu.memory_space<vmem>>, vector<16xf32>,
        %mul3A_638 = arith.constant 32 : i32
        %mul3A_639 = arith.muli %add3A_631, %mul3A_638 : i32
        %add3A_640 = arith.constant 16 : i32
        %add3A_641 = arith.addi %mul3A_639, %add3A_640 : i32
        %get3A_642 = arith.index_cast %add3A_641 : i32 to index
        %get3A_643 = tpu.vector_load %arg5[%get3A_642] {strides = array<i32>} : memref<4096xf32, #tpu.memory_space<vmem>>, vector<16xf32>,
        %add3A_644 = arith.constant 16 : i32
        %add3A_645 = arith.addi %squeeze3A_627, %add3A_644 : i32
        %swap3A_646 = arith.index_cast %add3A_645 : i32 to index
        %swap3A_647 = tpu.vector_load %arg11[%swap3A_646] {strides = array<i32>} : memref<32768xf32, #tpu.memory_space<vmem>>, vector<16xf32>,
        tpu.vector_store %arg11[%swap3A_646], %get3A_643 {strides = array<i32>} : memref<32768xf32, #tpu.memory_space<vmem>>, vector<16xf32>,
        %scan3A_648 = arith.constant 0 : i32
        scf.yield %scan3A_648 : i32
      }
      %scan3A_153 = arith.constant 8 : i32
      %barrier3A = arith.constant 0 : index
      tpu.barrier barrier_id(%barrier3A)
      %mul3A_154 = arith.constant 8 : i32
      %mul3A_155 = arith.muli %add3A_50, %mul3A_154 : i32
      %mul3A_156 = arith.constant 32 : i32
      %mul3A_157 = arith.muli %mul3A_155, %mul3A_156 : i32
      %dma_start3A_158 = tpu.memref_slice %arg4[%mul3A_157] : memref<67108864xf32, #tpu.memory_space<hbm>> -> memref<32768xf32, #tpu.memory_space<hbm>>
      %dma_start3A_159 = tpu.memref_slice %arg4[%mul3A_157] : memref<67108864xf32, #tpu.memory_space<hbm>> -> memref<32768xf32, #tpu.memory_space<hbm>>
      tpu.enqueue_dma source(%arg11 : memref<32768xf32, #tpu.memory_space<vmem>>) target(%dma_start3A_159 : memref<32768xf32, #tpu.memory_space<hbm>>) target_semaphore(%arg15 : memref<!tpu.dma_semaphore, #tpu.memory_space<semaphore_mem>>)
      %lt3A = arith.constant 31 : i32
      %lt3A_160 = arith.cmpi slt, %scan3A_42, %lt3A : i32
      %convert_element_type3A_161 = arith.extui %lt3A_160 : i1 to i32
      %cond3A_162 = arith.constant 0 : i32
      %cond3A_163 = arith.cmpi ne, %convert_element_type3A_161, %cond3A_162 : i32
      scf.if %cond3A_163 {
        %add3A_292 = arith.constant 2 : i32
        %add3A_293 = arith.addi %add3A_47, %add3A_292 : i32
        %mul3A_294 = arith.constant 128 : i32
        %mul3A_295 = arith.muli %add3A_293, %mul3A_294 : i32
        %add3A_296 = arith.addi %mul3A_2, %mul3A_295 : i32
        %mul3A_297 = arith.constant 32 : i32
        %mul3A_298 = arith.muli %add3A_296, %mul3A_297 : i32
        %dma_start3A_299 = tpu.memref_slice %arg2[%mul3A_298] : memref<8388608xf32, #tpu.memory_space<hbm>> -> memref<4096xf32, #tpu.memory_space<hbm>>
        %dma_start3A_300 = tpu.memref_slice %arg2[%mul3A_298] : memref<8388608xf32, #tpu.memory_space<hbm>> -> memref<4096xf32, #tpu.memory_space<hbm>>
        tpu.enqueue_dma source(%dma_start3A_300 : memref<4096xf32, #tpu.memory_space<hbm>>) target(%arg5 : memref<4096xf32, #tpu.memory_space<vmem>>) target_semaphore(%arg13 : memref<!tpu.dma_semaphore, #tpu.memory_space<semaphore_mem>>)
        %dma_start3A_301 = tpu.memref_slice %arg3[%add3A_296] : memref<262144xi32, #tpu.memory_space<hbm>> -> memref<128xi32, #tpu.memory_space<hbm>>
        %dma_start3A_302 = tpu.memref_slice %arg3[%add3A_296] : memref<262144xi32, #tpu.memory_space<hbm>> -> memref<128xi32, #tpu.memory_space<hbm>>
        tpu.enqueue_dma source(%dma_start3A_302 : memref<128xi32, #tpu.memory_space<hbm>>) target(%arg7 : memref<128xi32, #tpu.memory_space<vmem>>) target_semaphore(%arg13 : memref<!tpu.dma_semaphore, #tpu.memory_space<semaphore_mem>>)
      } else {
      }
      %mul3A_164 = arith.constant 2 : i32
      %mul3A_165 = arith.muli %scan3A_42, %mul3A_164 : i32
      %add3A_166 = arith.constant 1 : i32
      %add3A_167 = arith.addi %mul3A_165, %add3A_166 : i32
      %mul3A_168 = arith.constant 128 : i32
      %mul3A_169 = arith.muli %add3A_167, %mul3A_168 : i32
      %add3A_170 = arith.addi %mul3A_2, %mul3A_169 : i32
      %dma_wait3A_171 = arith.constant 0 : i32
      %dma_wait3A_172 = tpu.memref_slice %arg2[%dma_wait3A_171] : memref<8388608xf32, #tpu.memory_space<hbm>> -> memref<4096xf32, #tpu.memory_space<hbm>>
      %dma_wait3A_173 = arith.constant 0 : i32
      %dma_wait3A_174 = tpu.memref_slice %arg2[%dma_wait3A_173] : memref<8388608xf32, #tpu.memory_space<hbm>> -> memref<4096xf32, #tpu.memory_space<hbm>>
      tpu.wait_dma2 semaphore(%arg14 : memref<!tpu.dma_semaphore, #tpu.memory_space<semaphore_mem>>) src(%dma_wait3A_174 : memref<4096xf32, #tpu.memory_space<hbm>>) dst(%arg6 : memref<4096xf32, #tpu.memory_space<vmem>>)
      %dma_wait3A_175 = arith.constant 0 : i32
      %dma_wait3A_176 = tpu.memref_slice %arg3[%dma_wait3A_175] : memref<262144xi32, #tpu.memory_space<hbm>> -> memref<128xi32, #tpu.memory_space<hbm>>
      %dma_wait3A_177 = arith.constant 0 : i32
      %dma_wait3A_178 = tpu.memref_slice %arg3[%dma_wait3A_177] : memref<262144xi32, #tpu.memory_space<hbm>> -> memref<128xi32, #tpu.memory_space<hbm>>
      tpu.wait_dma2 semaphore(%arg14 : memref<!tpu.dma_semaphore, #tpu.memory_space<semaphore_mem>>) src(%dma_wait3A_178 : memref<128xi32, #tpu.memory_space<hbm>>) dst(%arg8 : memref<128xi32, #tpu.memory_space<vmem>>)
      %gt3A_179 = arith.constant 0 : i32
      %gt3A_180 = arith.cmpi sgt, %scan3A_42, %gt3A_179 : i32
      %convert_element_type3A_181 = arith.extui %gt3A_180 : i1 to i32
      %cond3A_182 = arith.constant 0 : i32
      %cond3A_183 = arith.cmpi ne, %convert_element_type3A_181, %cond3A_182 : i32
      scf.if %cond3A_183 {
        %dma_wait3A_292 = arith.constant 0 : i32
        %dma_wait3A_293 = tpu.memref_slice %arg4[%dma_wait3A_292] : memref<67108864xf32, #tpu.memory_space<hbm>> -> memref<32768xf32, #tpu.memory_space<hbm>>
        %dma_wait3A_294 = arith.constant 0 : i32
        %dma_wait3A_295 = tpu.memref_slice %arg4[%dma_wait3A_294] : memref<67108864xf32, #tpu.memory_space<hbm>> -> memref<32768xf32, #tpu.memory_space<hbm>>
        tpu.wait_dma2 semaphore(%arg16 : memref<!tpu.dma_semaphore, #tpu.memory_space<semaphore_mem>>) src(%arg12 : memref<32768xf32, #tpu.memory_space<vmem>>) dst(%dma_wait3A_295 : memref<32768xf32, #tpu.memory_space<hbm>>)
        %scan3A_296 = arith.constant 0 : i32
        %scan3A_297 = arith.constant 0 : i32
        %scan3A_298 = arith.constant 8 : i32
        %scan3A_299 = arith.addi %scan3A_297, %scan3A_298 : i32
        %scan3A_300 = arith.constant 1 : i32
        %scan3A_301 = scf.for %scan3A_303 = %scan3A_297 to %scan3A_299 step %scan3A_300 iter_args(%scan3A_304 = %scan3A_296) -> (i32)  : i32 {
          %mul3A_305 = arith.constant 16 : i32
          %mul3A_306 = arith.muli %scan3A_303, %mul3A_305 : i32
          %get3A_307 = arith.index_cast %mul3A_306 : i32 to index
          %get3A_308 = tpu.vector_load %arg10[%get3A_307] {strides = array<i32>} : memref<128xi32, #tpu.memory_space<vmem>>, vector<16xi32>,
          %slice3A = vector.extract_strided_slice %get3A_308 {offsets = [0], sizes = [1], strides = [1]} : vector<16xi32> to vector<1xi32>
          %squeeze3A = vector.extract %slice3A[0] : i32 from vector<1xi32>
          %swap3A_309 = arith.index_cast %squeeze3A : i32 to index
          %swap3A_310 = tpu.vector_load %arg12[%swap3A_309] {strides = array<i32>} : memref<32768xf32, #tpu.memory_space<vmem>>, vector<16xf32>,
          tpu.vector_store %arg12[%swap3A_309], %broadcast_in_dim3A_6 {strides = array<i32>} : memref<32768xf32, #tpu.memory_space<vmem>>, vector<16xf32>,
          %add3A_311 = arith.constant 16 : i32
          %add3A_312 = arith.addi %squeeze3A, %add3A_311 : i32
          %swap3A_313 = arith.index_cast %add3A_312 : i32 to index
          %swap3A_314 = tpu.vector_load %arg12[%swap3A_313] {strides = array<i32>} : memref<32768xf32, #tpu.memory_space<vmem>>, vector<16xf32>,
          tpu.vector_store %arg12[%swap3A_313], %broadcast_in_dim3A_6 {strides = array<i32>} : memref<32768xf32, #tpu.memory_space<vmem>>, vector<16xf32>,
          %slice3A_315 = vector.extract_strided_slice %get3A_308 {offsets = [1], sizes = [1], strides = [1]} : vector<16xi32> to vector<1xi32>
          %squeeze3A_316 = vector.extract %slice3A_315[0] : i32 from vector<1xi32>
          %swap3A_317 = arith.index_cast %squeeze3A_316 : i32 to index
          %swap3A_318 = tpu.vector_load %arg12[%swap3A_317] {strides = array<i32>} : memref<32768xf32, #tpu.memory_space<vmem>>, vector<16xf32>,
          tpu.vector_store %arg12[%swap3A_317], %broadcast_in_dim3A_6 {strides = array<i32>} : memref<32768xf32, #tpu.memory_space<vmem>>, vector<16xf32>,
          %add3A_319 = arith.constant 16 : i32
          %add3A_320 = arith.addi %squeeze3A_316, %add3A_319 : i32
          %swap3A_321 = arith.index_cast %add3A_320 : i32 to index
          %swap3A_322 = tpu.vector_load %arg12[%swap3A_321] {strides = array<i32>} : memref<32768xf32, #tpu.memory_space<vmem>>, vector<16xf32>,
          tpu.vector_store %arg12[%swap3A_321], %broadcast_in_dim3A_6 {strides = array<i32>} : memref<32768xf32, #tpu.memory_space<vmem>>, vector<16xf32>,
          %slice3A_323 = vector.extract_strided_slice %get3A_308 {offsets = [2], sizes = [1], strides = [1]} : vector<16xi32> to vector<1xi32>
          %squeeze3A_324 = vector.extract %slice3A_323[0] : i32 from vector<1xi32>
          %swap3A_325 = arith.index_cast %squeeze3A_324 : i32 to index
          %swap3A_326 = tpu.vector_load %arg12[%swap3A_325] {strides = array<i32>} : memref<32768xf32, #tpu.memory_space<vmem>>, vector<16xf32>,
          tpu.vector_store %arg12[%swap3A_325], %broadcast_in_dim3A_6 {strides = array<i32>} : memref<32768xf32, #tpu.memory_space<vmem>>, vector<16xf32>,
          %add3A_327 = arith.constant 16 : i32
          %add3A_328 = arith.addi %squeeze3A_324, %add3A_327 : i32
          %swap3A_329 = arith.index_cast %add3A_328 : i32 to index
          %swap3A_330 = tpu.vector_load %arg12[%swap3A_329] {strides = array<i32>} : memref<32768xf32, #tpu.memory_space<vmem>>, vector<16xf32>,
          tpu.vector_store %arg12[%swap3A_329], %broadcast_in_dim3A_6 {strides = array<i32>} : memref<32768xf32, #tpu.memory_space<vmem>>, vector<16xf32>,
          %slice3A_331 = vector.extract_strided_slice %get3A_308 {offsets = [3], sizes = [1], strides = [1]} : vector<16xi32> to vector<1xi32>
          %squeeze3A_332 = vector.extract %slice3A_331[0] : i32 from vector<1xi32>
          %swap3A_333 = arith.index_cast %squeeze3A_332 : i32 to index
          %swap3A_334 = tpu.vector_load %arg12[%swap3A_333] {strides = array<i32>} : memref<32768xf32, #tpu.memory_space<vmem>>, vector<16xf32>,
          tpu.vector_store %arg12[%swap3A_333], %broadcast_in_dim3A_6 {strides = array<i32>} : memref<32768xf32, #tpu.memory_space<vmem>>, vector<16xf32>,
          %add3A_335 = arith.constant 16 : i32
          %add3A_336 = arith.addi %squeeze3A_332, %add3A_335 : i32
          %swap3A_337 = arith.index_cast %add3A_336 : i32 to index
          %swap3A_338 = tpu.vector_load %arg12[%swap3A_337] {strides = array<i32>} : memref<32768xf32, #tpu.memory_space<vmem>>, vector<16xf32>,
          tpu.vector_store %arg12[%swap3A_337], %broadcast_in_dim3A_6 {strides = array<i32>} : memref<32768xf32, #tpu.memory_space<vmem>>, vector<16xf32>,
          %slice3A_339 = vector.extract_strided_slice %get3A_308 {offsets = [4], sizes = [1], strides = [1]} : vector<16xi32> to vector<1xi32>
          %squeeze3A_340 = vector.extract %slice3A_339[0] : i32 from vector<1xi32>
          %swap3A_341 = arith.index_cast %squeeze3A_340 : i32 to index
          %swap3A_342 = tpu.vector_load %arg12[%swap3A_341] {strides = array<i32>} : memref<32768xf32, #tpu.memory_space<vmem>>, vector<16xf32>,
          tpu.vector_store %arg12[%swap3A_341], %broadcast_in_dim3A_6 {strides = array<i32>} : memref<32768xf32, #tpu.memory_space<vmem>>, vector<16xf32>,
          %add3A_343 = arith.constant 16 : i32
          %add3A_344 = arith.addi %squeeze3A_340, %add3A_343 : i32
          %swap3A_345 = arith.index_cast %add3A_344 : i32 to index
          %swap3A_346 = tpu.vector_load %arg12[%swap3A_345] {strides = array<i32>} : memref<32768xf32, #tpu.memory_space<vmem>>, vector<16xf32>,
          tpu.vector_store %arg12[%swap3A_345], %broadcast_in_dim3A_6 {strides = array<i32>} : memref<32768xf32, #tpu.memory_space<vmem>>, vector<16xf32>,
          %slice3A_347 = vector.extract_strided_slice %get3A_308 {offsets = [5], sizes = [1], strides = [1]} : vector<16xi32> to vector<1xi32>
          %squeeze3A_348 = vector.extract %slice3A_347[0] : i32 from vector<1xi32>
          %swap3A_349 = arith.index_cast %squeeze3A_348 : i32 to index
          %swap3A_350 = tpu.vector_load %arg12[%swap3A_349] {strides = array<i32>} : memref<32768xf32, #tpu.memory_space<vmem>>, vector<16xf32>,
          tpu.vector_store %arg12[%swap3A_349], %broadcast_in_dim3A_6 {strides = array<i32>} : memref<32768xf32, #tpu.memory_space<vmem>>, vector<16xf32>,
          %add3A_351 = arith.constant 16 : i32
          %add3A_352 = arith.addi %squeeze3A_348, %add3A_351 : i32
          %swap3A_353 = arith.index_cast %add3A_352 : i32 to index
          %swap3A_354 = tpu.vector_load %arg12[%swap3A_353] {strides = array<i32>} : memref<32768xf32, #tpu.memory_space<vmem>>, vector<16xf32>,
          tpu.vector_store %arg12[%swap3A_353], %broadcast_in_dim3A_6 {strides = array<i32>} : memref<32768xf32, #tpu.memory_space<vmem>>, vector<16xf32>,
          %slice3A_355 = vector.extract_strided_slice %get3A_308 {offsets = [6], sizes = [1], strides = [1]} : vector<16xi32> to vector<1xi32>
          %squeeze3A_356 = vector.extract %slice3A_355[0] : i32 from vector<1xi32>
          %swap3A_357 = arith.index_cast %squeeze3A_356 : i32 to index
          %swap3A_358 = tpu.vector_load %arg12[%swap3A_357] {strides = array<i32>} : memref<32768xf32, #tpu.memory_space<vmem>>, vector<16xf32>,
          tpu.vector_store %arg12[%swap3A_357], %broadcast_in_dim3A_6 {strides = array<i32>} : memref<32768xf32, #tpu.memory_space<vmem>>, vector<16xf32>,
          %add3A_359 = arith.constant 16 : i32
          %add3A_360 = arith.addi %squeeze3A_356, %add3A_359 : i32
          %swap3A_361 = arith.index_cast %add3A_360 : i32 to index
          %swap3A_362 = tpu.vector_load %arg12[%swap3A_361] {strides = array<i32>} : memref<32768xf32, #tpu.memory_space<vmem>>, vector<16xf32>,
          tpu.vector_store %arg12[%swap3A_361], %broadcast_in_dim3A_6 {strides = array<i32>} : memref<32768xf32, #tpu.memory_space<vmem>>, vector<16xf32>,
          %slice3A_363 = vector.extract_strided_slice %get3A_308 {offsets = [7], sizes = [1], strides = [1]} : vector<16xi32> to vector<1xi32>
          %squeeze3A_364 = vector.extract %slice3A_363[0] : i32 from vector<1xi32>
          %swap3A_365 = arith.index_cast %squeeze3A_364 : i32 to index
          %swap3A_366 = tpu.vector_load %arg12[%swap3A_365] {strides = array<i32>} : memref<32768xf32, #tpu.memory_space<vmem>>, vector<16xf32>,
          tpu.vector_store %arg12[%swap3A_365], %broadcast_in_dim3A_6 {strides = array<i32>} : memref<32768xf32, #tpu.memory_space<vmem>>, vector<16xf32>,
          %add3A_367 = arith.constant 16 : i32
          %add3A_368 = arith.addi %squeeze3A_364, %add3A_367 : i32
          %swap3A_369 = arith.index_cast %add3A_368 : i32 to index
          %swap3A_370 = tpu.vector_load %arg12[%swap3A_369] {strides = array<i32>} : memref<32768xf32, #tpu.memory_space<vmem>>, vector<16xf32>,
          tpu.vector_store %arg12[%swap3A_369], %broadcast_in_dim3A_6 {strides = array<i32>} : memref<32768xf32, #tpu.memory_space<vmem>>, vector<16xf32>,
          %slice3A_371 = vector.extract_strided_slice %get3A_308 {offsets = [8], sizes = [1], strides = [1]} : vector<16xi32> to vector<1xi32>
          %squeeze3A_372 = vector.extract %slice3A_371[0] : i32 from vector<1xi32>
          %swap3A_373 = arith.index_cast %squeeze3A_372 : i32 to index
          %swap3A_374 = tpu.vector_load %arg12[%swap3A_373] {strides = array<i32>} : memref<32768xf32, #tpu.memory_space<vmem>>, vector<16xf32>,
          tpu.vector_store %arg12[%swap3A_373], %broadcast_in_dim3A_6 {strides = array<i32>} : memref<32768xf32, #tpu.memory_space<vmem>>, vector<16xf32>,
          %add3A_375 = arith.constant 16 : i32
          %add3A_376 = arith.addi %squeeze3A_372, %add3A_375 : i32
          %swap3A_377 = arith.index_cast %add3A_376 : i32 to index
          %swap3A_378 = tpu.vector_load %arg12[%swap3A_377] {strides = array<i32>} : memref<32768xf32, #tpu.memory_space<vmem>>, vector<16xf32>,
          tpu.vector_store %arg12[%swap3A_377], %broadcast_in_dim3A_6 {strides = array<i32>} : memref<32768xf32, #tpu.memory_space<vmem>>, vector<16xf32>,
          %slice3A_379 = vector.extract_strided_slice %get3A_308 {offsets = [9], sizes = [1], strides = [1]} : vector<16xi32> to vector<1xi32>
          %squeeze3A_380 = vector.extract %slice3A_379[0] : i32 from vector<1xi32>
          %swap3A_381 = arith.index_cast %squeeze3A_380 : i32 to index
          %swap3A_382 = tpu.vector_load %arg12[%swap3A_381] {strides = array<i32>} : memref<32768xf32, #tpu.memory_space<vmem>>, vector<16xf32>,
          tpu.vector_store %arg12[%swap3A_381], %broadcast_in_dim3A_6 {strides = array<i32>} : memref<32768xf32, #tpu.memory_space<vmem>>, vector<16xf32>,
          %add3A_383 = arith.constant 16 : i32
          %add3A_384 = arith.addi %squeeze3A_380, %add3A_383 : i32
          %swap3A_385 = arith.index_cast %add3A_384 : i32 to index
          %swap3A_386 = tpu.vector_load %arg12[%swap3A_385] {strides = array<i32>} : memref<32768xf32, #tpu.memory_space<vmem>>, vector<16xf32>,
          tpu.vector_store %arg12[%swap3A_385], %broadcast_in_dim3A_6 {strides = array<i32>} : memref<32768xf32, #tpu.memory_space<vmem>>, vector<16xf32>,
          %slice3A_387 = vector.extract_strided_slice %get3A_308 {offsets = [10], sizes = [1], strides = [1]} : vector<16xi32> to vector<1xi32>
          %squeeze3A_388 = vector.extract %slice3A_387[0] : i32 from vector<1xi32>
          %swap3A_389 = arith.index_cast %squeeze3A_388 : i32 to index
          %swap3A_390 = tpu.vector_load %arg12[%swap3A_389] {strides = array<i32>} : memref<32768xf32, #tpu.memory_space<vmem>>, vector<16xf32>,
          tpu.vector_store %arg12[%swap3A_389], %broadcast_in_dim3A_6 {strides = array<i32>} : memref<32768xf32, #tpu.memory_space<vmem>>, vector<16xf32>,
          %add3A_391 = arith.constant 16 : i32
          %add3A_392 = arith.addi %squeeze3A_388, %add3A_391 : i32
          %swap3A_393 = arith.index_cast %add3A_392 : i32 to index
          %swap3A_394 = tpu.vector_load %arg12[%swap3A_393] {strides = array<i32>} : memref<32768xf32, #tpu.memory_space<vmem>>, vector<16xf32>,
          tpu.vector_store %arg12[%swap3A_393], %broadcast_in_dim3A_6 {strides = array<i32>} : memref<32768xf32, #tpu.memory_space<vmem>>, vector<16xf32>,
          %slice3A_395 = vector.extract_strided_slice %get3A_308 {offsets = [11], sizes = [1], strides = [1]} : vector<16xi32> to vector<1xi32>
          %squeeze3A_396 = vector.extract %slice3A_395[0] : i32 from vector<1xi32>
          %swap3A_397 = arith.index_cast %squeeze3A_396 : i32 to index
          %swap3A_398 = tpu.vector_load %arg12[%swap3A_397] {strides = array<i32>} : memref<32768xf32, #tpu.memory_space<vmem>>, vector<16xf32>,
          tpu.vector_store %arg12[%swap3A_397], %broadcast_in_dim3A_6 {strides = array<i32>} : memref<32768xf32, #tpu.memory_space<vmem>>, vector<16xf32>,
          %add3A_399 = arith.constant 16 : i32
          %add3A_400 = arith.addi %squeeze3A_396, %add3A_399 : i32
          %swap3A_401 = arith.index_cast %add3A_400 : i32 to index
          %swap3A_402 = tpu.vector_load %arg12[%swap3A_401] {strides = array<i32>} : memref<32768xf32, #tpu.memory_space<vmem>>, vector<16xf32>,
          tpu.vector_store %arg12[%swap3A_401], %broadcast_in_dim3A_6 {strides = array<i32>} : memref<32768xf32, #tpu.memory_space<vmem>>, vector<16xf32>,
          %slice3A_403 = vector.extract_strided_slice %get3A_308 {offsets = [12], sizes = [1], strides = [1]} : vector<16xi32> to vector<1xi32>
          %squeeze3A_404 = vector.extract %slice3A_403[0] : i32 from vector<1xi32>
          %swap3A_405 = arith.index_cast %squeeze3A_404 : i32 to index
          %swap3A_406 = tpu.vector_load %arg12[%swap3A_405] {strides = array<i32>} : memref<32768xf32, #tpu.memory_space<vmem>>, vector<16xf32>,
          tpu.vector_store %arg12[%swap3A_405], %broadcast_in_dim3A_6 {strides = array<i32>} : memref<32768xf32, #tpu.memory_space<vmem>>, vector<16xf32>,
          %add3A_407 = arith.constant 16 : i32
          %add3A_408 = arith.addi %squeeze3A_404, %add3A_407 : i32
          %swap3A_409 = arith.index_cast %add3A_408 : i32 to index
          %swap3A_410 = tpu.vector_load %arg12[%swap3A_409] {strides = array<i32>} : memref<32768xf32, #tpu.memory_space<vmem>>, vector<16xf32>,
          tpu.vector_store %arg12[%swap3A_409], %broadcast_in_dim3A_6 {strides = array<i32>} : memref<32768xf32, #tpu.memory_space<vmem>>, vector<16xf32>,
          %slice3A_411 = vector.extract_strided_slice %get3A_308 {offsets = [13], sizes = [1], strides = [1]} : vector<16xi32> to vector<1xi32>
          %squeeze3A_412 = vector.extract %slice3A_411[0] : i32 from vector<1xi32>
          %swap3A_413 = arith.index_cast %squeeze3A_412 : i32 to index
          %swap3A_414 = tpu.vector_load %arg12[%swap3A_413] {strides = array<i32>} : memref<32768xf32, #tpu.memory_space<vmem>>, vector<16xf32>,
          tpu.vector_store %arg12[%swap3A_413], %broadcast_in_dim3A_6 {strides = array<i32>} : memref<32768xf32, #tpu.memory_space<vmem>>, vector<16xf32>,
          %add3A_415 = arith.constant 16 : i32
          %add3A_416 = arith.addi %squeeze3A_412, %add3A_415 : i32
          %swap3A_417 = arith.index_cast %add3A_416 : i32 to index
          %swap3A_418 = tpu.vector_load %arg12[%swap3A_417] {strides = array<i32>} : memref<32768xf32, #tpu.memory_space<vmem>>, vector<16xf32>,
          tpu.vector_store %arg12[%swap3A_417], %broadcast_in_dim3A_6 {strides = array<i32>} : memref<32768xf32, #tpu.memory_space<vmem>>, vector<16xf32>,
          %slice3A_419 = vector.extract_strided_slice %get3A_308 {offsets = [14], sizes = [1], strides = [1]} : vector<16xi32> to vector<1xi32>
          %squeeze3A_420 = vector.extract %slice3A_419[0] : i32 from vector<1xi32>
          %swap3A_421 = arith.index_cast %squeeze3A_420 : i32 to index
          %swap3A_422 = tpu.vector_load %arg12[%swap3A_421] {strides = array<i32>} : memref<32768xf32, #tpu.memory_space<vmem>>, vector<16xf32>,
          tpu.vector_store %arg12[%swap3A_421], %broadcast_in_dim3A_6 {strides = array<i32>} : memref<32768xf32, #tpu.memory_space<vmem>>, vector<16xf32>,
          %add3A_423 = arith.constant 16 : i32
          %add3A_424 = arith.addi %squeeze3A_420, %add3A_423 : i32
          %swap3A_425 = arith.index_cast %add3A_424 : i32 to index
          %swap3A_426 = tpu.vector_load %arg12[%swap3A_425] {strides = array<i32>} : memref<32768xf32, #tpu.memory_space<vmem>>, vector<16xf32>,
          tpu.vector_store %arg12[%swap3A_425], %broadcast_in_dim3A_6 {strides = array<i32>} : memref<32768xf32, #tpu.memory_space<vmem>>, vector<16xf32>,
          %slice3A_427 = vector.extract_strided_slice %get3A_308 {offsets = [15], sizes = [1], strides = [1]} : vector<16xi32> to vector<1xi32>
          %squeeze3A_428 = vector.extract %slice3A_427[0] : i32 from vector<1xi32>
          %swap3A_429 = arith.index_cast %squeeze3A_428 : i32 to index
          %swap3A_430 = tpu.vector_load %arg12[%swap3A_429] {strides = array<i32>} : memref<32768xf32, #tpu.memory_space<vmem>>, vector<16xf32>,
          tpu.vector_store %arg12[%swap3A_429], %broadcast_in_dim3A_6 {strides = array<i32>} : memref<32768xf32, #tpu.memory_space<vmem>>, vector<16xf32>,
          %add3A_431 = arith.constant 16 : i32
          %add3A_432 = arith.addi %squeeze3A_428, %add3A_431 : i32
          %swap3A_433 = arith.index_cast %add3A_432 : i32 to index
          %swap3A_434 = tpu.vector_load %arg12[%swap3A_433] {strides = array<i32>} : memref<32768xf32, #tpu.memory_space<vmem>>, vector<16xf32>,
          tpu.vector_store %arg12[%swap3A_433], %broadcast_in_dim3A_6 {strides = array<i32>} : memref<32768xf32, #tpu.memory_space<vmem>>, vector<16xf32>,
          %scan3A_435 = arith.constant 0 : i32
          scf.yield %scan3A_435 : i32
        }
        %scan3A_302 = arith.constant 8 : i32
      } else {
      }
      %get3A_184 = arith.constant 0 : index
      %get3A_185 = tpu.vector_load %arg8[%get3A_184] {strides = array<i32>} : memref<128xi32, #tpu.memory_space<vmem>>, vector<16xi32>,
      %add3A_186 = arith.constant 0 : i32
      %add3A_187 = vector.broadcast %add3A_186 : i32 to vector<16xi32>
      %add3A_188 = arith.addi %add3A_187, %mul3A_5 : vector<16xi32>
      %mul3A_189 = arith.constant 32 : i32
      %mul3A_190 = vector.broadcast %mul3A_189 : i32 to vector<16xi32>
      %mul3A_191 = arith.muli %get3A_185, %mul3A_190 : vector<16xi32>
      %add3A_192 = arith.addi %add3A_188, %mul3A_191 : vector<16xi32>
      %swap3A_193 = arith.constant 0 : index
      %swap3A_194 = tpu.vector_load %arg10[%swap3A_193] {strides = array<i32>} : memref<128xi32, #tpu.memory_space<vmem>>, vector<16xi32>,
      tpu.vector_store %arg10[%swap3A_193], %add3A_192 {strides = array<i32>} : memref<128xi32, #tpu.memory_space<vmem>>, vector<16xi32>,
      %get3A_195 = arith.constant 16 : index
      %get3A_196 = tpu.vector_load %arg8[%get3A_195] {strides = array<i32>} : memref<128xi32, #tpu.memory_space<vmem>>, vector<16xi32>,
      %add3A_197 = arith.constant 4096 : i32
      %add3A_198 = vector.broadcast %add3A_197 : i32 to vector<16xi32>
      %add3A_199 = arith.addi %add3A_198, %mul3A_5 : vector<16xi32>
      %mul3A_200 = arith.constant 32 : i32
      %mul3A_201 = vector.broadcast %mul3A_200 : i32 to vector<16xi32>
      %mul3A_202 = arith.muli %get3A_196, %mul3A_201 : vector<16xi32>
      %add3A_203 = arith.addi %add3A_199, %mul3A_202 : vector<16xi32>
      %swap3A_204 = arith.constant 16 : index
      %swap3A_205 = tpu.vector_load %arg10[%swap3A_204] {strides = array<i32>} : memref<128xi32, #tpu.memory_space<vmem>>, vector<16xi32>,
      tpu.vector_store %arg10[%swap3A_204], %add3A_203 {strides = array<i32>} : memref<128xi32, #tpu.memory_space<vmem>>, vector<16xi32>,
      %get3A_206 = arith.constant 32 : index
      %get3A_207 = tpu.vector_load %arg8[%get3A_206] {strides = array<i32>} : memref<128xi32, #tpu.memory_space<vmem>>, vector<16xi32>,
      %add3A_208 = arith.constant 8192 : i32
      %add3A_209 = vector.broadcast %add3A_208 : i32 to vector<16xi32>
      %add3A_210 = arith.addi %add3A_209, %mul3A_5 : vector<16xi32>
      %mul3A_211 = arith.constant 32 : i32
      %mul3A_212 = vector.broadcast %mul3A_211 : i32 to vector<16xi32>
      %mul3A_213 = arith.muli %get3A_207, %mul3A_212 : vector<16xi32>
      %add3A_214 = arith.addi %add3A_210, %mul3A_213 : vector<16xi32>
      %swap3A_215 = arith.constant 32 : index
      %swap3A_216 = tpu.vector_load %arg10[%swap3A_215] {strides = array<i32>} : memref<128xi32, #tpu.memory_space<vmem>>, vector<16xi32>,
      tpu.vector_store %arg10[%swap3A_215], %add3A_214 {strides = array<i32>} : memref<128xi32, #tpu.memory_space<vmem>>, vector<16xi32>,
      %get3A_217 = arith.constant 48 : index
      %get3A_218 = tpu.vector_load %arg8[%get3A_217] {strides = array<i32>} : memref<128xi32, #tpu.memory_space<vmem>>, vector<16xi32>,
      %add3A_219 = arith.constant 12288 : i32
      %add3A_220 = vector.broadcast %add3A_219 : i32 to vector<16xi32>
      %add3A_221 = arith.addi %add3A_220, %mul3A_5 : vector<16xi32>
      %mul3A_222 = arith.constant 32 : i32
      %mul3A_223 = vector.broadcast %mul3A_222 : i32 to vector<16xi32>
      %mul3A_224 = arith.muli %get3A_218, %mul3A_223 : vector<16xi32>
      %add3A_225 = arith.addi %add3A_221, %mul3A_224 : vector<16xi32>
      %swap3A_226 = arith.constant 48 : index
      %swap3A_227 = tpu.vector_load %arg10[%swap3A_226] {strides = array<i32>} : memref<128xi32, #tpu.memory_space<vmem>>, vector<16xi32>,
      tpu.vector_store %arg10[%swap3A_226], %add3A_225 {strides = array<i32>} : memref<128xi32, #tpu.memory_space<vmem>>, vector<16xi32>,
      %get3A_228 = arith.constant 64 : index
      %get3A_229 = tpu.vector_load %arg8[%get3A_228] {strides = array<i32>} : memref<128xi32, #tpu.memory_space<vmem>>, vector<16xi32>,
      %add3A_230 = arith.constant 16384 : i32
      %add3A_231 = vector.broadcast %add3A_230 : i32 to vector<16xi32>
      %add3A_232 = arith.addi %add3A_231, %mul3A_5 : vector<16xi32>
      %mul3A_233 = arith.constant 32 : i32
      %mul3A_234 = vector.broadcast %mul3A_233 : i32 to vector<16xi32>
      %mul3A_235 = arith.muli %get3A_229, %mul3A_234 : vector<16xi32>
      %add3A_236 = arith.addi %add3A_232, %mul3A_235 : vector<16xi32>
      %swap3A_237 = arith.constant 64 : index
      %swap3A_238 = tpu.vector_load %arg10[%swap3A_237] {strides = array<i32>} : memref<128xi32, #tpu.memory_space<vmem>>, vector<16xi32>,
      tpu.vector_store %arg10[%swap3A_237], %add3A_236 {strides = array<i32>} : memref<128xi32, #tpu.memory_space<vmem>>, vector<16xi32>,
      %get3A_239 = arith.constant 80 : index
      %get3A_240 = tpu.vector_load %arg8[%get3A_239] {strides = array<i32>} : memref<128xi32, #tpu.memory_space<vmem>>, vector<16xi32>,
      %add3A_241 = arith.constant 20480 : i32
      %add3A_242 = vector.broadcast %add3A_241 : i32 to vector<16xi32>
      %add3A_243 = arith.addi %add3A_242, %mul3A_5 : vector<16xi32>
      %mul3A_244 = arith.constant 32 : i32
      %mul3A_245 = vector.broadcast %mul3A_244 : i32 to vector<16xi32>
      %mul3A_246 = arith.muli %get3A_240, %mul3A_245 : vector<16xi32>
      %add3A_247 = arith.addi %add3A_243, %mul3A_246 : vector<16xi32>
      %swap3A_248 = arith.constant 80 : index
      %swap3A_249 = tpu.vector_load %arg10[%swap3A_248] {strides = array<i32>} : memref<128xi32, #tpu.memory_space<vmem>>, vector<16xi32>,
      tpu.vector_store %arg10[%swap3A_248], %add3A_247 {strides = array<i32>} : memref<128xi32, #tpu.memory_space<vmem>>, vector<16xi32>,
      %get3A_250 = arith.constant 96 : index
      %get3A_251 = tpu.vector_load %arg8[%get3A_250] {strides = array<i32>} : memref<128xi32, #tpu.memory_space<vmem>>, vector<16xi32>,
      %add3A_252 = arith.constant 24576 : i32
      %add3A_253 = vector.broadcast %add3A_252 : i32 to vector<16xi32>
      %add3A_254 = arith.addi %add3A_253, %mul3A_5 : vector<16xi32>
      %mul3A_255 = arith.constant 32 : i32
      %mul3A_256 = vector.broadcast %mul3A_255 : i32 to vector<16xi32>
      %mul3A_257 = arith.muli %get3A_251, %mul3A_256 : vector<16xi32>
      %add3A_258 = arith.addi %add3A_254, %mul3A_257 : vector<16xi32>
      %swap3A_259 = arith.constant 96 : index
      %swap3A_260 = tpu.vector_load %arg10[%swap3A_259] {strides = array<i32>} : memref<128xi32, #tpu.memory_space<vmem>>, vector<16xi32>,
      tpu.vector_store %arg10[%swap3A_259], %add3A_258 {strides = array<i32>} : memref<128xi32, #tpu.memory_space<vmem>>, vector<16xi32>,
      %get3A_261 = arith.constant 112 : index
      %get3A_262 = tpu.vector_load %arg8[%get3A_261] {strides = array<i32>} : memref<128xi32, #tpu.memory_space<vmem>>, vector<16xi32>,
      %add3A_263 = arith.constant 28672 : i32
      %add3A_264 = vector.broadcast %add3A_263 : i32 to vector<16xi32>
      %add3A_265 = arith.addi %add3A_264, %mul3A_5 : vector<16xi32>
      %mul3A_266 = arith.constant 32 : i32
      %mul3A_267 = vector.broadcast %mul3A_266 : i32 to vector<16xi32>
      %mul3A_268 = arith.muli %get3A_262, %mul3A_267 : vector<16xi32>
      %add3A_269 = arith.addi %add3A_265, %mul3A_268 : vector<16xi32>
      %swap3A_270 = arith.constant 112 : index
      %swap3A_271 = tpu.vector_load %arg10[%swap3A_270] {strides = array<i32>} : memref<128xi32, #tpu.memory_space<vmem>>, vector<16xi32>,
      tpu.vector_store %arg10[%swap3A_270], %add3A_269 {strides = array<i32>} : memref<128xi32, #tpu.memory_space<vmem>>, vector<16xi32>,
      %scan3A_272 = arith.constant 0 : i32
      %scan3A_273 = arith.constant 0 : i32
      %scan3A_274 = arith.constant 8 : i32
      %scan3A_275 = arith.addi %scan3A_273, %scan3A_274 : i32
      %scan3A_276 = arith.constant 1 : i32
      %scan3A_277 = scf.for %scan3A_292 = %scan3A_273 to %scan3A_275 step %scan3A_276 iter_args(%scan3A_293 = %scan3A_272) -> (i32)  : i32 {
        %mul3A_294 = arith.constant 16 : i32
        %mul3A_295 = arith.muli %scan3A_292, %mul3A_294 : i32
        %get3A_296 = arith.index_cast %mul3A_295 : i32 to index
        %get3A_297 = tpu.vector_load %arg10[%get3A_296] {strides = array<i32>} : memref<128xi32, #tpu.memory_space<vmem>>, vector<16xi32>,
        %slice3A = vector.extract_strided_slice %get3A_297 {offsets = [0], sizes = [1], strides = [1]} : vector<16xi32> to vector<1xi32>
        %squeeze3A = vector.extract %slice3A[0] : i32 from vector<1xi32>
        %mul3A_298 = arith.constant 16 : i32
        %mul3A_299 = arith.muli %scan3A_292, %mul3A_298 : i32
        %add3A_300 = arith.constant 0 : i32
        %add3A_301 = arith.addi %mul3A_299, %add3A_300 : i32
        %mul3A_302 = arith.constant 32 : i32
        %mul3A_303 = arith.muli %add3A_301, %mul3A_302 : i32
        %get3A_304 = arith.index_cast %mul3A_303 : i32 to index
        %get3A_305 = tpu.vector_load %arg6[%get3A_304] {strides = array<i32>} : memref<4096xf32, #tpu.memory_space<vmem>>, vector<16xf32>,
        %swap3A_306 = arith.index_cast %squeeze3A : i32 to index
        %swap3A_307 = tpu.vector_load %arg12[%swap3A_306] {strides = array<i32>} : memref<32768xf32, #tpu.memory_space<vmem>>, vector<16xf32>,
        tpu.vector_store %arg12[%swap3A_306], %get3A_305 {strides = array<i32>} : memref<32768xf32, #tpu.memory_space<vmem>>, vector<16xf32>,
        %mul3A_308 = arith.constant 32 : i32
        %mul3A_309 = arith.muli %add3A_301, %mul3A_308 : i32
        %add3A_310 = arith.constant 16 : i32
        %add3A_311 = arith.addi %mul3A_309, %add3A_310 : i32
        %get3A_312 = arith.index_cast %add3A_311 : i32 to index
        %get3A_313 = tpu.vector_load %arg6[%get3A_312] {strides = array<i32>} : memref<4096xf32, #tpu.memory_space<vmem>>, vector<16xf32>,
        %add3A_314 = arith.constant 16 : i32
        %add3A_315 = arith.addi %squeeze3A, %add3A_314 : i32
        %swap3A_316 = arith.index_cast %add3A_315 : i32 to index
        %swap3A_317 = tpu.vector_load %arg12[%swap3A_316] {strides = array<i32>} : memref<32768xf32, #tpu.memory_space<vmem>>, vector<16xf32>,
        tpu.vector_store %arg12[%swap3A_316], %get3A_313 {strides = array<i32>} : memref<32768xf32, #tpu.memory_space<vmem>>, vector<16xf32>,
        %slice3A_318 = vector.extract_strided_slice %get3A_297 {offsets = [1], sizes = [1], strides = [1]} : vector<16xi32> to vector<1xi32>
        %squeeze3A_319 = vector.extract %slice3A_318[0] : i32 from vector<1xi32>
        %mul3A_320 = arith.constant 16 : i32
        %mul3A_321 = arith.muli %scan3A_292, %mul3A_320 : i32
        %add3A_322 = arith.constant 1 : i32
        %add3A_323 = arith.addi %mul3A_321, %add3A_322 : i32
        %mul3A_324 = arith.constant 32 : i32
        %mul3A_325 = arith.muli %add3A_323, %mul3A_324 : i32
        %get3A_326 = arith.index_cast %mul3A_325 : i32 to index
        %get3A_327 = tpu.vector_load %arg6[%get3A_326] {strides = array<i32>} : memref<4096xf32, #tpu.memory_space<vmem>>, vector<16xf32>,
        %swap3A_328 = arith.index_cast %squeeze3A_319 : i32 to index
        %swap3A_329 = tpu.vector_load %arg12[%swap3A_328] {strides = array<i32>} : memref<32768xf32, #tpu.memory_space<vmem>>, vector<16xf32>,
        tpu.vector_store %arg12[%swap3A_328], %get3A_327 {strides = array<i32>} : memref<32768xf32, #tpu.memory_space<vmem>>, vector<16xf32>,
        %mul3A_330 = arith.constant 32 : i32
        %mul3A_331 = arith.muli %add3A_323, %mul3A_330 : i32
        %add3A_332 = arith.constant 16 : i32
        %add3A_333 = arith.addi %mul3A_331, %add3A_332 : i32
        %get3A_334 = arith.index_cast %add3A_333 : i32 to index
        %get3A_335 = tpu.vector_load %arg6[%get3A_334] {strides = array<i32>} : memref<4096xf32, #tpu.memory_space<vmem>>, vector<16xf32>,
        %add3A_336 = arith.constant 16 : i32
        %add3A_337 = arith.addi %squeeze3A_319, %add3A_336 : i32
        %swap3A_338 = arith.index_cast %add3A_337 : i32 to index
        %swap3A_339 = tpu.vector_load %arg12[%swap3A_338] {strides = array<i32>} : memref<32768xf32, #tpu.memory_space<vmem>>, vector<16xf32>,
        tpu.vector_store %arg12[%swap3A_338], %get3A_335 {strides = array<i32>} : memref<32768xf32, #tpu.memory_space<vmem>>, vector<16xf32>,
        %slice3A_340 = vector.extract_strided_slice %get3A_297 {offsets = [2], sizes = [1], strides = [1]} : vector<16xi32> to vector<1xi32>
        %squeeze3A_341 = vector.extract %slice3A_340[0] : i32 from vector<1xi32>
        %mul3A_342 = arith.constant 16 : i32
        %mul3A_343 = arith.muli %scan3A_292, %mul3A_342 : i32
        %add3A_344 = arith.constant 2 : i32
        %add3A_345 = arith.addi %mul3A_343, %add3A_344 : i32
        %mul3A_346 = arith.constant 32 : i32
        %mul3A_347 = arith.muli %add3A_345, %mul3A_346 : i32
        %get3A_348 = arith.index_cast %mul3A_347 : i32 to index
        %get3A_349 = tpu.vector_load %arg6[%get3A_348] {strides = array<i32>} : memref<4096xf32, #tpu.memory_space<vmem>>, vector<16xf32>,
        %swap3A_350 = arith.index_cast %squeeze3A_341 : i32 to index
        %swap3A_351 = tpu.vector_load %arg12[%swap3A_350] {strides = array<i32>} : memref<32768xf32, #tpu.memory_space<vmem>>, vector<16xf32>,
        tpu.vector_store %arg12[%swap3A_350], %get3A_349 {strides = array<i32>} : memref<32768xf32, #tpu.memory_space<vmem>>, vector<16xf32>,
        %mul3A_352 = arith.constant 32 : i32
        %mul3A_353 = arith.muli %add3A_345, %mul3A_352 : i32
        %add3A_354 = arith.constant 16 : i32
        %add3A_355 = arith.addi %mul3A_353, %add3A_354 : i32
        %get3A_356 = arith.index_cast %add3A_355 : i32 to index
        %get3A_357 = tpu.vector_load %arg6[%get3A_356] {strides = array<i32>} : memref<4096xf32, #tpu.memory_space<vmem>>, vector<16xf32>,
        %add3A_358 = arith.constant 16 : i32
        %add3A_359 = arith.addi %squeeze3A_341, %add3A_358 : i32
        %swap3A_360 = arith.index_cast %add3A_359 : i32 to index
        %swap3A_361 = tpu.vector_load %arg12[%swap3A_360] {strides = array<i32>} : memref<32768xf32, #tpu.memory_space<vmem>>, vector<16xf32>,
        tpu.vector_store %arg12[%swap3A_360], %get3A_357 {strides = array<i32>} : memref<32768xf32, #tpu.memory_space<vmem>>, vector<16xf32>,
        %slice3A_362 = vector.extract_strided_slice %get3A_297 {offsets = [3], sizes = [1], strides = [1]} : vector<16xi32> to vector<1xi32>
        %squeeze3A_363 = vector.extract %slice3A_362[0] : i32 from vector<1xi32>
        %mul3A_364 = arith.constant 16 : i32
        %mul3A_365 = arith.muli %scan3A_292, %mul3A_364 : i32
        %add3A_366 = arith.constant 3 : i32
        %add3A_367 = arith.addi %mul3A_365, %add3A_366 : i32
        %mul3A_368 = arith.constant 32 : i32
        %mul3A_369 = arith.muli %add3A_367, %mul3A_368 : i32
        %get3A_370 = arith.index_cast %mul3A_369 : i32 to index
        %get3A_371 = tpu.vector_load %arg6[%get3A_370] {strides = array<i32>} : memref<4096xf32, #tpu.memory_space<vmem>>, vector<16xf32>,
        %swap3A_372 = arith.index_cast %squeeze3A_363 : i32 to index
        %swap3A_373 = tpu.vector_load %arg12[%swap3A_372] {strides = array<i32>} : memref<32768xf32, #tpu.memory_space<vmem>>, vector<16xf32>,
        tpu.vector_store %arg12[%swap3A_372], %get3A_371 {strides = array<i32>} : memref<32768xf32, #tpu.memory_space<vmem>>, vector<16xf32>,
        %mul3A_374 = arith.constant 32 : i32
        %mul3A_375 = arith.muli %add3A_367, %mul3A_374 : i32
        %add3A_376 = arith.constant 16 : i32
        %add3A_377 = arith.addi %mul3A_375, %add3A_376 : i32
        %get3A_378 = arith.index_cast %add3A_377 : i32 to index
        %get3A_379 = tpu.vector_load %arg6[%get3A_378] {strides = array<i32>} : memref<4096xf32, #tpu.memory_space<vmem>>, vector<16xf32>,
        %add3A_380 = arith.constant 16 : i32
        %add3A_381 = arith.addi %squeeze3A_363, %add3A_380 : i32
        %swap3A_382 = arith.index_cast %add3A_381 : i32 to index
        %swap3A_383 = tpu.vector_load %arg12[%swap3A_382] {strides = array<i32>} : memref<32768xf32, #tpu.memory_space<vmem>>, vector<16xf32>,
        tpu.vector_store %arg12[%swap3A_382], %get3A_379 {strides = array<i32>} : memref<32768xf32, #tpu.memory_space<vmem>>, vector<16xf32>,
        %slice3A_384 = vector.extract_strided_slice %get3A_297 {offsets = [4], sizes = [1], strides = [1]} : vector<16xi32> to vector<1xi32>
        %squeeze3A_385 = vector.extract %slice3A_384[0] : i32 from vector<1xi32>
        %mul3A_386 = arith.constant 16 : i32
        %mul3A_387 = arith.muli %scan3A_292, %mul3A_386 : i32
        %add3A_388 = arith.constant 4 : i32
        %add3A_389 = arith.addi %mul3A_387, %add3A_388 : i32
        %mul3A_390 = arith.constant 32 : i32
        %mul3A_391 = arith.muli %add3A_389, %mul3A_390 : i32
        %get3A_392 = arith.index_cast %mul3A_391 : i32 to index
        %get3A_393 = tpu.vector_load %arg6[%get3A_392] {strides = array<i32>} : memref<4096xf32, #tpu.memory_space<vmem>>, vector<16xf32>,
        %swap3A_394 = arith.index_cast %squeeze3A_385 : i32 to index
        %swap3A_395 = tpu.vector_load %arg12[%swap3A_394] {strides = array<i32>} : memref<32768xf32, #tpu.memory_space<vmem>>, vector<16xf32>,
        tpu.vector_store %arg12[%swap3A_394], %get3A_393 {strides = array<i32>} : memref<32768xf32, #tpu.memory_space<vmem>>, vector<16xf32>,
        %mul3A_396 = arith.constant 32 : i32
        %mul3A_397 = arith.muli %add3A_389, %mul3A_396 : i32
        %add3A_398 = arith.constant 16 : i32
        %add3A_399 = arith.addi %mul3A_397, %add3A_398 : i32
        %get3A_400 = arith.index_cast %add3A_399 : i32 to index
        %get3A_401 = tpu.vector_load %arg6[%get3A_400] {strides = array<i32>} : memref<4096xf32, #tpu.memory_space<vmem>>, vector<16xf32>,
        %add3A_402 = arith.constant 16 : i32
        %add3A_403 = arith.addi %squeeze3A_385, %add3A_402 : i32
        %swap3A_404 = arith.index_cast %add3A_403 : i32 to index
        %swap3A_405 = tpu.vector_load %arg12[%swap3A_404] {strides = array<i32>} : memref<32768xf32, #tpu.memory_space<vmem>>, vector<16xf32>,
        tpu.vector_store %arg12[%swap3A_404], %get3A_401 {strides = array<i32>} : memref<32768xf32, #tpu.memory_space<vmem>>, vector<16xf32>,
        %slice3A_406 = vector.extract_strided_slice %get3A_297 {offsets = [5], sizes = [1], strides = [1]} : vector<16xi32> to vector<1xi32>
        %squeeze3A_407 = vector.extract %slice3A_406[0] : i32 from vector<1xi32>
        %mul3A_408 = arith.constant 16 : i32
        %mul3A_409 = arith.muli %scan3A_292, %mul3A_408 : i32
        %add3A_410 = arith.constant 5 : i32
        %add3A_411 = arith.addi %mul3A_409, %add3A_410 : i32
        %mul3A_412 = arith.constant 32 : i32
        %mul3A_413 = arith.muli %add3A_411, %mul3A_412 : i32
        %get3A_414 = arith.index_cast %mul3A_413 : i32 to index
        %get3A_415 = tpu.vector_load %arg6[%get3A_414] {strides = array<i32>} : memref<4096xf32, #tpu.memory_space<vmem>>, vector<16xf32>,
        %swap3A_416 = arith.index_cast %squeeze3A_407 : i32 to index
        %swap3A_417 = tpu.vector_load %arg12[%swap3A_416] {strides = array<i32>} : memref<32768xf32, #tpu.memory_space<vmem>>, vector<16xf32>,
        tpu.vector_store %arg12[%swap3A_416], %get3A_415 {strides = array<i32>} : memref<32768xf32, #tpu.memory_space<vmem>>, vector<16xf32>,
        %mul3A_418 = arith.constant 32 : i32
        %mul3A_419 = arith.muli %add3A_411, %mul3A_418 : i32
        %add3A_420 = arith.constant 16 : i32
        %add3A_421 = arith.addi %mul3A_419, %add3A_420 : i32
        %get3A_422 = arith.index_cast %add3A_421 : i32 to index
        %get3A_423 = tpu.vector_load %arg6[%get3A_422] {strides = array<i32>} : memref<4096xf32, #tpu.memory_space<vmem>>, vector<16xf32>,
        %add3A_424 = arith.constant 16 : i32
        %add3A_425 = arith.addi %squeeze3A_407, %add3A_424 : i32
        %swap3A_426 = arith.index_cast %add3A_425 : i32 to index
        %swap3A_427 = tpu.vector_load %arg12[%swap3A_426] {strides = array<i32>} : memref<32768xf32, #tpu.memory_space<vmem>>, vector<16xf32>,
        tpu.vector_store %arg12[%swap3A_426], %get3A_423 {strides = array<i32>} : memref<32768xf32, #tpu.memory_space<vmem>>, vector<16xf32>,
        %slice3A_428 = vector.extract_strided_slice %get3A_297 {offsets = [6], sizes = [1], strides = [1]} : vector<16xi32> to vector<1xi32>
        %squeeze3A_429 = vector.extract %slice3A_428[0] : i32 from vector<1xi32>
        %mul3A_430 = arith.constant 16 : i32
        %mul3A_431 = arith.muli %scan3A_292, %mul3A_430 : i32
        %add3A_432 = arith.constant 6 : i32
        %add3A_433 = arith.addi %mul3A_431, %add3A_432 : i32
        %mul3A_434 = arith.constant 32 : i32
        %mul3A_435 = arith.muli %add3A_433, %mul3A_434 : i32
        %get3A_436 = arith.index_cast %mul3A_435 : i32 to index
        %get3A_437 = tpu.vector_load %arg6[%get3A_436] {strides = array<i32>} : memref<4096xf32, #tpu.memory_space<vmem>>, vector<16xf32>,
        %swap3A_438 = arith.index_cast %squeeze3A_429 : i32 to index
        %swap3A_439 = tpu.vector_load %arg12[%swap3A_438] {strides = array<i32>} : memref<32768xf32, #tpu.memory_space<vmem>>, vector<16xf32>,
        tpu.vector_store %arg12[%swap3A_438], %get3A_437 {strides = array<i32>} : memref<32768xf32, #tpu.memory_space<vmem>>, vector<16xf32>,
        %mul3A_440 = arith.constant 32 : i32
        %mul3A_441 = arith.muli %add3A_433, %mul3A_440 : i32
        %add3A_442 = arith.constant 16 : i32
        %add3A_443 = arith.addi %mul3A_441, %add3A_442 : i32
        %get3A_444 = arith.index_cast %add3A_443 : i32 to index
        %get3A_445 = tpu.vector_load %arg6[%get3A_444] {strides = array<i32>} : memref<4096xf32, #tpu.memory_space<vmem>>, vector<16xf32>,
        %add3A_446 = arith.constant 16 : i32
        %add3A_447 = arith.addi %squeeze3A_429, %add3A_446 : i32
        %swap3A_448 = arith.index_cast %add3A_447 : i32 to index
        %swap3A_449 = tpu.vector_load %arg12[%swap3A_448] {strides = array<i32>} : memref<32768xf32, #tpu.memory_space<vmem>>, vector<16xf32>,
        tpu.vector_store %arg12[%swap3A_448], %get3A_445 {strides = array<i32>} : memref<32768xf32, #tpu.memory_space<vmem>>, vector<16xf32>,
        %slice3A_450 = vector.extract_strided_slice %get3A_297 {offsets = [7], sizes = [1], strides = [1]} : vector<16xi32> to vector<1xi32>
        %squeeze3A_451 = vector.extract %slice3A_450[0] : i32 from vector<1xi32>
        %mul3A_452 = arith.constant 16 : i32
        %mul3A_453 = arith.muli %scan3A_292, %mul3A_452 : i32
        %add3A_454 = arith.constant 7 : i32
        %add3A_455 = arith.addi %mul3A_453, %add3A_454 : i32
        %mul3A_456 = arith.constant 32 : i32
        %mul3A_457 = arith.muli %add3A_455, %mul3A_456 : i32
        %get3A_458 = arith.index_cast %mul3A_457 : i32 to index
        %get3A_459 = tpu.vector_load %arg6[%get3A_458] {strides = array<i32>} : memref<4096xf32, #tpu.memory_space<vmem>>, vector<16xf32>,
        %swap3A_460 = arith.index_cast %squeeze3A_451 : i32 to index
        %swap3A_461 = tpu.vector_load %arg12[%swap3A_460] {strides = array<i32>} : memref<32768xf32, #tpu.memory_space<vmem>>, vector<16xf32>,
        tpu.vector_store %arg12[%swap3A_460], %get3A_459 {strides = array<i32>} : memref<32768xf32, #tpu.memory_space<vmem>>, vector<16xf32>,
        %mul3A_462 = arith.constant 32 : i32
        %mul3A_463 = arith.muli %add3A_455, %mul3A_462 : i32
        %add3A_464 = arith.constant 16 : i32
        %add3A_465 = arith.addi %mul3A_463, %add3A_464 : i32
        %get3A_466 = arith.index_cast %add3A_465 : i32 to index
        %get3A_467 = tpu.vector_load %arg6[%get3A_466] {strides = array<i32>} : memref<4096xf32, #tpu.memory_space<vmem>>, vector<16xf32>,
        %add3A_468 = arith.constant 16 : i32
        %add3A_469 = arith.addi %squeeze3A_451, %add3A_468 : i32
        %swap3A_470 = arith.index_cast %add3A_469 : i32 to index
        %swap3A_471 = tpu.vector_load %arg12[%swap3A_470] {strides = array<i32>} : memref<32768xf32, #tpu.memory_space<vmem>>, vector<16xf32>,
        tpu.vector_store %arg12[%swap3A_470], %get3A_467 {strides = array<i32>} : memref<32768xf32, #tpu.memory_space<vmem>>, vector<16xf32>,
        %slice3A_472 = vector.extract_strided_slice %get3A_297 {offsets = [8], sizes = [1], strides = [1]} : vector<16xi32> to vector<1xi32>
        %squeeze3A_473 = vector.extract %slice3A_472[0] : i32 from vector<1xi32>
        %mul3A_474 = arith.constant 16 : i32
        %mul3A_475 = arith.muli %scan3A_292, %mul3A_474 : i32
        %add3A_476 = arith.constant 8 : i32
        %add3A_477 = arith.addi %mul3A_475, %add3A_476 : i32
        %mul3A_478 = arith.constant 32 : i32
        %mul3A_479 = arith.muli %add3A_477, %mul3A_478 : i32
        %get3A_480 = arith.index_cast %mul3A_479 : i32 to index
        %get3A_481 = tpu.vector_load %arg6[%get3A_480] {strides = array<i32>} : memref<4096xf32, #tpu.memory_space<vmem>>, vector<16xf32>,
        %swap3A_482 = arith.index_cast %squeeze3A_473 : i32 to index
        %swap3A_483 = tpu.vector_load %arg12[%swap3A_482] {strides = array<i32>} : memref<32768xf32, #tpu.memory_space<vmem>>, vector<16xf32>,
        tpu.vector_store %arg12[%swap3A_482], %get3A_481 {strides = array<i32>} : memref<32768xf32, #tpu.memory_space<vmem>>, vector<16xf32>,
        %mul3A_484 = arith.constant 32 : i32
        %mul3A_485 = arith.muli %add3A_477, %mul3A_484 : i32
        %add3A_486 = arith.constant 16 : i32
        %add3A_487 = arith.addi %mul3A_485, %add3A_486 : i32
        %get3A_488 = arith.index_cast %add3A_487 : i32 to index
        %get3A_489 = tpu.vector_load %arg6[%get3A_488] {strides = array<i32>} : memref<4096xf32, #tpu.memory_space<vmem>>, vector<16xf32>,
        %add3A_490 = arith.constant 16 : i32
        %add3A_491 = arith.addi %squeeze3A_473, %add3A_490 : i32
        %swap3A_492 = arith.index_cast %add3A_491 : i32 to index
        %swap3A_493 = tpu.vector_load %arg12[%swap3A_492] {strides = array<i32>} : memref<32768xf32, #tpu.memory_space<vmem>>, vector<16xf32>,
        tpu.vector_store %arg12[%swap3A_492], %get3A_489 {strides = array<i32>} : memref<32768xf32, #tpu.memory_space<vmem>>, vector<16xf32>,
        %slice3A_494 = vector.extract_strided_slice %get3A_297 {offsets = [9], sizes = [1], strides = [1]} : vector<16xi32> to vector<1xi32>
        %squeeze3A_495 = vector.extract %slice3A_494[0] : i32 from vector<1xi32>
        %mul3A_496 = arith.constant 16 : i32
        %mul3A_497 = arith.muli %scan3A_292, %mul3A_496 : i32
        %add3A_498 = arith.constant 9 : i32
        %add3A_499 = arith.addi %mul3A_497, %add3A_498 : i32
        %mul3A_500 = arith.constant 32 : i32
        %mul3A_501 = arith.muli %add3A_499, %mul3A_500 : i32
        %get3A_502 = arith.index_cast %mul3A_501 : i32 to index
        %get3A_503 = tpu.vector_load %arg6[%get3A_502] {strides = array<i32>} : memref<4096xf32, #tpu.memory_space<vmem>>, vector<16xf32>,
        %swap3A_504 = arith.index_cast %squeeze3A_495 : i32 to index
        %swap3A_505 = tpu.vector_load %arg12[%swap3A_504] {strides = array<i32>} : memref<32768xf32, #tpu.memory_space<vmem>>, vector<16xf32>,
        tpu.vector_store %arg12[%swap3A_504], %get3A_503 {strides = array<i32>} : memref<32768xf32, #tpu.memory_space<vmem>>, vector<16xf32>,
        %mul3A_506 = arith.constant 32 : i32
        %mul3A_507 = arith.muli %add3A_499, %mul3A_506 : i32
        %add3A_508 = arith.constant 16 : i32
        %add3A_509 = arith.addi %mul3A_507, %add3A_508 : i32
        %get3A_510 = arith.index_cast %add3A_509 : i32 to index
        %get3A_511 = tpu.vector_load %arg6[%get3A_510] {strides = array<i32>} : memref<4096xf32, #tpu.memory_space<vmem>>, vector<16xf32>,
        %add3A_512 = arith.constant 16 : i32
        %add3A_513 = arith.addi %squeeze3A_495, %add3A_512 : i32
        %swap3A_514 = arith.index_cast %add3A_513 : i32 to index
        %swap3A_515 = tpu.vector_load %arg12[%swap3A_514] {strides = array<i32>} : memref<32768xf32, #tpu.memory_space<vmem>>, vector<16xf32>,
        tpu.vector_store %arg12[%swap3A_514], %get3A_511 {strides = array<i32>} : memref<32768xf32, #tpu.memory_space<vmem>>, vector<16xf32>,
        %slice3A_516 = vector.extract_strided_slice %get3A_297 {offsets = [10], sizes = [1], strides = [1]} : vector<16xi32> to vector<1xi32>
        %squeeze3A_517 = vector.extract %slice3A_516[0] : i32 from vector<1xi32>
        %mul3A_518 = arith.constant 16 : i32
        %mul3A_519 = arith.muli %scan3A_292, %mul3A_518 : i32
        %add3A_520 = arith.constant 10 : i32
        %add3A_521 = arith.addi %mul3A_519, %add3A_520 : i32
        %mul3A_522 = arith.constant 32 : i32
        %mul3A_523 = arith.muli %add3A_521, %mul3A_522 : i32
        %get3A_524 = arith.index_cast %mul3A_523 : i32 to index
        %get3A_525 = tpu.vector_load %arg6[%get3A_524] {strides = array<i32>} : memref<4096xf32, #tpu.memory_space<vmem>>, vector<16xf32>,
        %swap3A_526 = arith.index_cast %squeeze3A_517 : i32 to index
        %swap3A_527 = tpu.vector_load %arg12[%swap3A_526] {strides = array<i32>} : memref<32768xf32, #tpu.memory_space<vmem>>, vector<16xf32>,
        tpu.vector_store %arg12[%swap3A_526], %get3A_525 {strides = array<i32>} : memref<32768xf32, #tpu.memory_space<vmem>>, vector<16xf32>,
        %mul3A_528 = arith.constant 32 : i32
        %mul3A_529 = arith.muli %add3A_521, %mul3A_528 : i32
        %add3A_530 = arith.constant 16 : i32
        %add3A_531 = arith.addi %mul3A_529, %add3A_530 : i32
        %get3A_532 = arith.index_cast %add3A_531 : i32 to index
        %get3A_533 = tpu.vector_load %arg6[%get3A_532] {strides = array<i32>} : memref<4096xf32, #tpu.memory_space<vmem>>, vector<16xf32>,
        %add3A_534 = arith.constant 16 : i32
        %add3A_535 = arith.addi %squeeze3A_517, %add3A_534 : i32
        %swap3A_536 = arith.index_cast %add3A_535 : i32 to index
        %swap3A_537 = tpu.vector_load %arg12[%swap3A_536] {strides = array<i32>} : memref<32768xf32, #tpu.memory_space<vmem>>, vector<16xf32>,
        tpu.vector_store %arg12[%swap3A_536], %get3A_533 {strides = array<i32>} : memref<32768xf32, #tpu.memory_space<vmem>>, vector<16xf32>,
        %slice3A_538 = vector.extract_strided_slice %get3A_297 {offsets = [11], sizes = [1], strides = [1]} : vector<16xi32> to vector<1xi32>
        %squeeze3A_539 = vector.extract %slice3A_538[0] : i32 from vector<1xi32>
        %mul3A_540 = arith.constant 16 : i32
        %mul3A_541 = arith.muli %scan3A_292, %mul3A_540 : i32
        %add3A_542 = arith.constant 11 : i32
        %add3A_543 = arith.addi %mul3A_541, %add3A_542 : i32
        %mul3A_544 = arith.constant 32 : i32
        %mul3A_545 = arith.muli %add3A_543, %mul3A_544 : i32
        %get3A_546 = arith.index_cast %mul3A_545 : i32 to index
        %get3A_547 = tpu.vector_load %arg6[%get3A_546] {strides = array<i32>} : memref<4096xf32, #tpu.memory_space<vmem>>, vector<16xf32>,
        %swap3A_548 = arith.index_cast %squeeze3A_539 : i32 to index
        %swap3A_549 = tpu.vector_load %arg12[%swap3A_548] {strides = array<i32>} : memref<32768xf32, #tpu.memory_space<vmem>>, vector<16xf32>,
        tpu.vector_store %arg12[%swap3A_548], %get3A_547 {strides = array<i32>} : memref<32768xf32, #tpu.memory_space<vmem>>, vector<16xf32>,
        %mul3A_550 = arith.constant 32 : i32
        %mul3A_551 = arith.muli %add3A_543, %mul3A_550 : i32
        %add3A_552 = arith.constant 16 : i32
        %add3A_553 = arith.addi %mul3A_551, %add3A_552 : i32
        %get3A_554 = arith.index_cast %add3A_553 : i32 to index
        %get3A_555 = tpu.vector_load %arg6[%get3A_554] {strides = array<i32>} : memref<4096xf32, #tpu.memory_space<vmem>>, vector<16xf32>,
        %add3A_556 = arith.constant 16 : i32
        %add3A_557 = arith.addi %squeeze3A_539, %add3A_556 : i32
        %swap3A_558 = arith.index_cast %add3A_557 : i32 to index
        %swap3A_559 = tpu.vector_load %arg12[%swap3A_558] {strides = array<i32>} : memref<32768xf32, #tpu.memory_space<vmem>>, vector<16xf32>,
        tpu.vector_store %arg12[%swap3A_558], %get3A_555 {strides = array<i32>} : memref<32768xf32, #tpu.memory_space<vmem>>, vector<16xf32>,
        %slice3A_560 = vector.extract_strided_slice %get3A_297 {offsets = [12], sizes = [1], strides = [1]} : vector<16xi32> to vector<1xi32>
        %squeeze3A_561 = vector.extract %slice3A_560[0] : i32 from vector<1xi32>
        %mul3A_562 = arith.constant 16 : i32
        %mul3A_563 = arith.muli %scan3A_292, %mul3A_562 : i32
        %add3A_564 = arith.constant 12 : i32
        %add3A_565 = arith.addi %mul3A_563, %add3A_564 : i32
        %mul3A_566 = arith.constant 32 : i32
        %mul3A_567 = arith.muli %add3A_565, %mul3A_566 : i32
        %get3A_568 = arith.index_cast %mul3A_567 : i32 to index
        %get3A_569 = tpu.vector_load %arg6[%get3A_568] {strides = array<i32>} : memref<4096xf32, #tpu.memory_space<vmem>>, vector<16xf32>,
        %swap3A_570 = arith.index_cast %squeeze3A_561 : i32 to index
        %swap3A_571 = tpu.vector_load %arg12[%swap3A_570] {strides = array<i32>} : memref<32768xf32, #tpu.memory_space<vmem>>, vector<16xf32>,
        tpu.vector_store %arg12[%swap3A_570], %get3A_569 {strides = array<i32>} : memref<32768xf32, #tpu.memory_space<vmem>>, vector<16xf32>,
        %mul3A_572 = arith.constant 32 : i32
        %mul3A_573 = arith.muli %add3A_565, %mul3A_572 : i32
        %add3A_574 = arith.constant 16 : i32
        %add3A_575 = arith.addi %mul3A_573, %add3A_574 : i32
        %get3A_576 = arith.index_cast %add3A_575 : i32 to index
        %get3A_577 = tpu.vector_load %arg6[%get3A_576] {strides = array<i32>} : memref<4096xf32, #tpu.memory_space<vmem>>, vector<16xf32>,
        %add3A_578 = arith.constant 16 : i32
        %add3A_579 = arith.addi %squeeze3A_561, %add3A_578 : i32
        %swap3A_580 = arith.index_cast %add3A_579 : i32 to index
        %swap3A_581 = tpu.vector_load %arg12[%swap3A_580] {strides = array<i32>} : memref<32768xf32, #tpu.memory_space<vmem>>, vector<16xf32>,
        tpu.vector_store %arg12[%swap3A_580], %get3A_577 {strides = array<i32>} : memref<32768xf32, #tpu.memory_space<vmem>>, vector<16xf32>,
        %slice3A_582 = vector.extract_strided_slice %get3A_297 {offsets = [13], sizes = [1], strides = [1]} : vector<16xi32> to vector<1xi32>
        %squeeze3A_583 = vector.extract %slice3A_582[0] : i32 from vector<1xi32>
        %mul3A_584 = arith.constant 16 : i32
        %mul3A_585 = arith.muli %scan3A_292, %mul3A_584 : i32
        %add3A_586 = arith.constant 13 : i32
        %add3A_587 = arith.addi %mul3A_585, %add3A_586 : i32
        %mul3A_588 = arith.constant 32 : i32
        %mul3A_589 = arith.muli %add3A_587, %mul3A_588 : i32
        %get3A_590 = arith.index_cast %mul3A_589 : i32 to index
        %get3A_591 = tpu.vector_load %arg6[%get3A_590] {strides = array<i32>} : memref<4096xf32, #tpu.memory_space<vmem>>, vector<16xf32>,
        %swap3A_592 = arith.index_cast %squeeze3A_583 : i32 to index
        %swap3A_593 = tpu.vector_load %arg12[%swap3A_592] {strides = array<i32>} : memref<32768xf32, #tpu.memory_space<vmem>>, vector<16xf32>,
        tpu.vector_store %arg12[%swap3A_592], %get3A_591 {strides = array<i32>} : memref<32768xf32, #tpu.memory_space<vmem>>, vector<16xf32>,
        %mul3A_594 = arith.constant 32 : i32
        %mul3A_595 = arith.muli %add3A_587, %mul3A_594 : i32
        %add3A_596 = arith.constant 16 : i32
        %add3A_597 = arith.addi %mul3A_595, %add3A_596 : i32
        %get3A_598 = arith.index_cast %add3A_597 : i32 to index
        %get3A_599 = tpu.vector_load %arg6[%get3A_598] {strides = array<i32>} : memref<4096xf32, #tpu.memory_space<vmem>>, vector<16xf32>,
        %add3A_600 = arith.constant 16 : i32
        %add3A_601 = arith.addi %squeeze3A_583, %add3A_600 : i32
        %swap3A_602 = arith.index_cast %add3A_601 : i32 to index
        %swap3A_603 = tpu.vector_load %arg12[%swap3A_602] {strides = array<i32>} : memref<32768xf32, #tpu.memory_space<vmem>>, vector<16xf32>,
        tpu.vector_store %arg12[%swap3A_602], %get3A_599 {strides = array<i32>} : memref<32768xf32, #tpu.memory_space<vmem>>, vector<16xf32>,
        %slice3A_604 = vector.extract_strided_slice %get3A_297 {offsets = [14], sizes = [1], strides = [1]} : vector<16xi32> to vector<1xi32>
        %squeeze3A_605 = vector.extract %slice3A_604[0] : i32 from vector<1xi32>
        %mul3A_606 = arith.constant 16 : i32
        %mul3A_607 = arith.muli %scan3A_292, %mul3A_606 : i32
        %add3A_608 = arith.constant 14 : i32
        %add3A_609 = arith.addi %mul3A_607, %add3A_608 : i32
        %mul3A_610 = arith.constant 32 : i32
        %mul3A_611 = arith.muli %add3A_609, %mul3A_610 : i32
        %get3A_612 = arith.index_cast %mul3A_611 : i32 to index
        %get3A_613 = tpu.vector_load %arg6[%get3A_612] {strides = array<i32>} : memref<4096xf32, #tpu.memory_space<vmem>>, vector<16xf32>,
        %swap3A_614 = arith.index_cast %squeeze3A_605 : i32 to index
        %swap3A_615 = tpu.vector_load %arg12[%swap3A_614] {strides = array<i32>} : memref<32768xf32, #tpu.memory_space<vmem>>, vector<16xf32>,
        tpu.vector_store %arg12[%swap3A_614], %get3A_613 {strides = array<i32>} : memref<32768xf32, #tpu.memory_space<vmem>>, vector<16xf32>,
        %mul3A_616 = arith.constant 32 : i32
        %mul3A_617 = arith.muli %add3A_609, %mul3A_616 : i32
        %add3A_618 = arith.constant 16 : i32
        %add3A_619 = arith.addi %mul3A_617, %add3A_618 : i32
        %get3A_620 = arith.index_cast %add3A_619 : i32 to index
        %get3A_621 = tpu.vector_load %arg6[%get3A_620] {strides = array<i32>} : memref<4096xf32, #tpu.memory_space<vmem>>, vector<16xf32>,
        %add3A_622 = arith.constant 16 : i32
        %add3A_623 = arith.addi %squeeze3A_605, %add3A_622 : i32
        %swap3A_624 = arith.index_cast %add3A_623 : i32 to index
        %swap3A_625 = tpu.vector_load %arg12[%swap3A_624] {strides = array<i32>} : memref<32768xf32, #tpu.memory_space<vmem>>, vector<16xf32>,
        tpu.vector_store %arg12[%swap3A_624], %get3A_621 {strides = array<i32>} : memref<32768xf32, #tpu.memory_space<vmem>>, vector<16xf32>,
        %slice3A_626 = vector.extract_strided_slice %get3A_297 {offsets = [15], sizes = [1], strides = [1]} : vector<16xi32> to vector<1xi32>
        %squeeze3A_627 = vector.extract %slice3A_626[0] : i32 from vector<1xi32>
        %mul3A_628 = arith.constant 16 : i32
        %mul3A_629 = arith.muli %scan3A_292, %mul3A_628 : i32
        %add3A_630 = arith.constant 15 : i32
        %add3A_631 = arith.addi %mul3A_629, %add3A_630 : i32
        %mul3A_632 = arith.constant 32 : i32
        %mul3A_633 = arith.muli %add3A_631, %mul3A_632 : i32
        %get3A_634 = arith.index_cast %mul3A_633 : i32 to index
        %get3A_635 = tpu.vector_load %arg6[%get3A_634] {strides = array<i32>} : memref<4096xf32, #tpu.memory_space<vmem>>, vector<16xf32>,
        %swap3A_636 = arith.index_cast %squeeze3A_627 : i32 to index
        %swap3A_637 = tpu.vector_load %arg12[%swap3A_636] {strides = array<i32>} : memref<32768xf32, #tpu.memory_space<vmem>>, vector<16xf32>,
        tpu.vector_store %arg12[%swap3A_636], %get3A_635 {strides = array<i32>} : memref<32768xf32, #tpu.memory_space<vmem>>, vector<16xf32>,
        %mul3A_638 = arith.constant 32 : i32
        %mul3A_639 = arith.muli %add3A_631, %mul3A_638 : i32
        %add3A_640 = arith.constant 16 : i32
        %add3A_641 = arith.addi %mul3A_639, %add3A_640 : i32
        %get3A_642 = arith.index_cast %add3A_641 : i32 to index
        %get3A_643 = tpu.vector_load %arg6[%get3A_642] {strides = array<i32>} : memref<4096xf32, #tpu.memory_space<vmem>>, vector<16xf32>,
        %add3A_644 = arith.constant 16 : i32
        %add3A_645 = arith.addi %squeeze3A_627, %add3A_644 : i32
        %swap3A_646 = arith.index_cast %add3A_645 : i32 to index
        %swap3A_647 = tpu.vector_load %arg12[%swap3A_646] {strides = array<i32>} : memref<32768xf32, #tpu.memory_space<vmem>>, vector<16xf32>,
        tpu.vector_store %arg12[%swap3A_646], %get3A_643 {strides = array<i32>} : memref<32768xf32, #tpu.memory_space<vmem>>, vector<16xf32>,
        %scan3A_648 = arith.constant 0 : i32
        scf.yield %scan3A_648 : i32
      }
      %scan3A_278 = arith.constant 8 : i32
      %barrier3A_279 = arith.constant 0 : index
      tpu.barrier barrier_id(%barrier3A_279)
      %mul3A_280 = arith.constant 8 : i32
      %mul3A_281 = arith.muli %add3A_170, %mul3A_280 : i32
      %mul3A_282 = arith.constant 32 : i32
      %mul3A_283 = arith.muli %mul3A_281, %mul3A_282 : i32
      %dma_start3A_284 = tpu.memref_slice %arg4[%mul3A_283] : memref<67108864xf32, #tpu.memory_space<hbm>> -> memref<32768xf32, #tpu.memory_space<hbm>>
      %dma_start3A_285 = tpu.memref_slice %arg4[%mul3A_283] : memref<67108864xf32, #tpu.memory_space<hbm>> -> memref<32768xf32, #tpu.memory_space<hbm>>
      tpu.enqueue_dma source(%arg12 : memref<32768xf32, #tpu.memory_space<vmem>>) target(%dma_start3A_285 : memref<32768xf32, #tpu.memory_space<hbm>>) target_semaphore(%arg16 : memref<!tpu.dma_semaphore, #tpu.memory_space<semaphore_mem>>)
      %lt3A_286 = arith.constant 31 : i32
      %lt3A_287 = arith.cmpi slt, %scan3A_42, %lt3A_286 : i32
      %convert_element_type3A_288 = arith.extui %lt3A_287 : i1 to i32
      %cond3A_289 = arith.constant 0 : i32
      %cond3A_290 = arith.cmpi ne, %convert_element_type3A_288, %cond3A_289 : i32
      scf.if %cond3A_290 {
        %add3A_292 = arith.constant 2 : i32
        %add3A_293 = arith.addi %add3A_167, %add3A_292 : i32
        %mul3A_294 = arith.constant 128 : i32
        %mul3A_295 = arith.muli %add3A_293, %mul3A_294 : i32
        %add3A_296 = arith.addi %mul3A_2, %mul3A_295 : i32
        %mul3A_297 = arith.constant 32 : i32
        %mul3A_298 = arith.muli %add3A_296, %mul3A_297 : i32
        %dma_start3A_299 = tpu.memref_slice %arg2[%mul3A_298] : memref<8388608xf32, #tpu.memory_space<hbm>> -> memref<4096xf32, #tpu.memory_space<hbm>>
        %dma_start3A_300 = tpu.memref_slice %arg2[%mul3A_298] : memref<8388608xf32, #tpu.memory_space<hbm>> -> memref<4096xf32, #tpu.memory_space<hbm>>
        tpu.enqueue_dma source(%dma_start3A_300 : memref<4096xf32, #tpu.memory_space<hbm>>) target(%arg6 : memref<4096xf32, #tpu.memory_space<vmem>>) target_semaphore(%arg14 : memref<!tpu.dma_semaphore, #tpu.memory_space<semaphore_mem>>)
        %dma_start3A_301 = tpu.memref_slice %arg3[%add3A_296] : memref<262144xi32, #tpu.memory_space<hbm>> -> memref<128xi32, #tpu.memory_space<hbm>>
        %dma_start3A_302 = tpu.memref_slice %arg3[%add3A_296] : memref<262144xi32, #tpu.memory_space<hbm>> -> memref<128xi32, #tpu.memory_space<hbm>>
        tpu.enqueue_dma source(%dma_start3A_302 : memref<128xi32, #tpu.memory_space<hbm>>) target(%arg8 : memref<128xi32, #tpu.memory_space<vmem>>) target_semaphore(%arg14 : memref<!tpu.dma_semaphore, #tpu.memory_space<semaphore_mem>>)
      } else {
      }
      %scan3A_291 = arith.constant 0 : i32
      scf.yield %scan3A_291 : i32
    }
    %scan3A_34 = arith.constant 32 : i32
    %dma_wait3A = arith.constant 0 : i32
    %dma_wait3A_35 = tpu.memref_slice %arg4[%dma_wait3A] : memref<67108864xf32, #tpu.memory_space<hbm>> -> memref<32768xf32, #tpu.memory_space<hbm>>
    %dma_wait3A_36 = arith.constant 0 : i32
    %dma_wait3A_37 = tpu.memref_slice %arg4[%dma_wait3A_36] : memref<67108864xf32, #tpu.memory_space<hbm>> -> memref<32768xf32, #tpu.memory_space<hbm>>
    tpu.wait_dma2 semaphore(%arg15 : memref<!tpu.dma_semaphore, #tpu.memory_space<semaphore_mem>>) src(%arg11 : memref<32768xf32, #tpu.memory_space<vmem>>) dst(%dma_wait3A_37 : memref<32768xf32, #tpu.memory_space<hbm>>)
    %dma_wait3A_38 = arith.constant 0 : i32
    %dma_wait3A_39 = tpu.memref_slice %arg4[%dma_wait3A_38] : memref<67108864xf32, #tpu.memory_space<hbm>> -> memref<32768xf32, #tpu.memory_space<hbm>>
    %dma_wait3A_40 = arith.constant 0 : i32
    %dma_wait3A_41 = tpu.memref_slice %arg4[%dma_wait3A_40] : memref<67108864xf32, #tpu.memory_space<hbm>> -> memref<32768xf32, #tpu.memory_space<hbm>>
    tpu.wait_dma2 semaphore(%arg16 : memref<!tpu.dma_semaphore, #tpu.memory_space<semaphore_mem>>) src(%arg12 : memref<32768xf32, #tpu.memory_space<vmem>>) dst(%dma_wait3A_41 : memref<32768xf32, #tpu.memory_space<hbm>>)
    return
  }
}

</mosaic_0001>

<sc_bundles>
// kernel: _unpool.3.cloned.1.call-start
scs
__scs_entry_jumppad:
0x0: {  	(pc) =	sbr.rel $0x88, $3  }
0x1: {  	(tag) =	ssettag $0x0;
	lr =	simm.s32 $0x1  }
0x2: {  	[smem:$0x3F9F] =	sst lr;
	_ =	strace $0xD0000000  }
0x3: {  	_ = 	snop  }
0x4: {  	_ = 	snop  }
0x5: {  	_ = 	snop  }
0x6: {  	_ = 	snop  }
0x7: {  	_ = 	snop  }
__scs_overlays_trampoline_lowered:
0x8: {  	[smem:$0x3FAE] =	sst s0  }
0x9: {  	[smem:$0x3FAF] =	sst s1  }
0xa: {  	[smem:$0x3FB0] =	sst s2  }
0xb: {  	[smem:$0x3FB1] =	sst s3  }
0xc: {  	[smem:$0x3FB2] =	sst s4  }
0xd: {  	[smem:$0x3FB3] =	sst s5  }
0xe: {  	[smem:$0x3FB4] =	sst s6  }
0xf: {  	[smem:$0x3FB5] =	sst s7  }
0x10: {  	[smem:$0x3FB6] =	sst s8  }
0x11: {  	[smem:$0x3FB7] =	sst s9;
	s0 =	simm.s32 @!p0 $0x0  }
0x12: {  	s1 =	sld [smem:$0x3F9D];
	s0 =	simm.s32 @p0 $0x1  }
0x13: {  	[smem:$0x3FB8] =	sst s0;
	s0 =	simm.s32 @!p1 $0x0  }
0x14: {  	s2 =	sld [smem:$0x3F9C];
	s0 =	simm.s32 @p1 $0x1  }
0x15: {  	[smem:$0x3FB9] =	sst s0;
	s0 =	simm.s32 @!p2 $0x0  }
0x16: {  	s3 =	sld [smem:$0x3FDB];
	s0 =	simm.s32 @p2 $0x1  }
0x17: {  	s4 =	simm.s32 $0x1BF5;
	[smem:$0x3FBB] =	sst s0  }
0x18: {  	s0 =	sld [smem:$0x3F9E];
	_ =	swait.ge [sflag:s4], $0x0  }
0x19: {  	s7 =	sld [smem:$0x3F9F]  }
0x1a: {  	s8 =	sadd.s32 $0xFFFFE003, lr  }
0x1b: {  	s9 =	sadd.s32 $0xFFFFFEF7, lr;
	s5 =	simm.s32 $0xFFFFFFFF;
	p2 =	slt.u32 s8, $0xFFFFF086  }
0x1c: {  	p1 =	slt.u32 s9, $0xF7A;
	s5 =	simm.s32 @!p2 $0x0  }
0x1d: {  	s5 =	simm.s32 @p1 $0x1;
	p0 =	seq.s32 s7, s2  }
0x1e: {  	s7 =	smul.u32 @!p0 $0xF7A, s2;
	p2 =	seq.s32 @!p0 s5, $0x0  }
0x1f: {  	s9 =	smul.u32 $0xF7A, s1;
	s8 =	simm.s32 @!p0 $0x1BF5;
	p2 =	por !p2, p0  }
0x20: {  	[sflag:s8] =	ssyncset.s32 @!p0 $0xFFFFF086;
	s6 =	sadd.s32 @!p0 s3, s7;
	s7 =	simm.s32 @!p0 $0x108  }
0x21: {  	s3 =	sadd.s32 s3, s9;
	s6 =	sadd.s32 @!p0 $0x88, s6;
	s7 =	simm.s32 @p2 $0x1082  }
0x22: {  	[simem:s7], [sflag:s8] =	dma.local @!p0 [hbm:s6], $0xF7A  }
0x23: {  	s9 =	sor.u32 $0xD0000000, s2;
	s6 =	simm.s32 $0x108;
	_ =	swait.ge @!p0 [sflag:s8], $0x0  }
0x24: {  	s3 =	sadd.s32 $0x88, s3;
	s6 =	simm.s32 @!p1 $0x1082;
	[sflag:s4] =	ssyncset.s32 $0xFFFFF086  }
0x25: {  	[simem:s6], [sflag:s4] =	dma.local [hbm:s3], $0xF7A  }
0x26: {  	[smem:$0x3F9F] =	sst s1;
	(tag) =	ssettag s2;
	_ =	strace s9  }
0x27: {  	s1 =	sld [smem:$0x3FAF]  }
0x28: {  	s2 =	sld [smem:$0x3FB0]  }
0x29: {  	s4 =	sld [smem:$0x3FB2]  }
0x2a: {  	p0 =	seq.s32 s5, $0x0;
	s5 =	sld [smem:$0x3FB3]  }
0x2b: {  	s6 =	sld [smem:$0x3FB4]  }
0x2c: {  	s7 =	sld [smem:$0x3FB5]  }
0x2d: {  	s3 =	simm.s32 $0x108;
	s8 =	sld [smem:$0x3FB6]  }
0x2e: {  	s3 =	simm.s32 @!p0 $0x1082;
	s9 =	sld [smem:$0x3FB7]  }
0x2f: {  	lr =	sadd.s32 s0, s3;
	s0 =	sld [smem:$0x3FAE]  }
0x30: {  	s3 =	sld [smem:$0x3FB1]  }
0x31: {  	[smem:$0x3FBA] =	sst s10  }
0x32: {  	s10 =	sld [smem:$0x3FB8];
	_ =	sdelay $0x3  }
0x33: {  	p0 =	seq.s32 s10, $0x1;
	s10 =	sld [smem:$0x3FBA];
	_ =	sdelay $0x3  }
0x34: {  	[smem:$0x3FBA] =	sst s10  }
0x35: {  	s10 =	sld [smem:$0x3FB9];
	_ =	sdelay $0x3  }
0x36: {  	p1 =	seq.s32 s10, $0x1;
	s10 =	sld [smem:$0x3FBA];
	_ =	sdelay $0x3  }
0x37: {  	[smem:$0x3FBA] =	sst s10  }
0x38: {  	s10 =	sld [smem:$0x3FBB]  }
0x39: {  	_ = 	snop;
	(pc) =	sbr.ind lr, $3  }
0x3a: {  	_ = 	snop  }
0x3b: {  	_ = 	snop  }
0x3c: {  	p2 =	seq.s32 s10, $0x1;
	s10 =	sld [smem:$0x3FBA]  }
0x3d: {  	_ =	shalt  }
0x3e: {  	_ =	shalt  }
0x3f: {  	_ =	shalt  }
0x40: {  	_ =	shalt  }
0x41: {  	_ =	shalt  }
0x42: {  	_ =	shalt  }
0x43: {  	_ =	shalt  }
0x44: {  	_ =	shalt  }
0x45: {  	_ =	shalt  }
0x46: {  	_ =	shalt  }
0x47: {  	_ =	shalt  }
0x48: {  	_ =	shalt  }
0x49: {  	_ =	shalt  }
0x4a: {  	_ =	shalt  }
0x4b: {  	_ =	shalt  }
0x4c: {  	_ =	shalt  }
0x4d: {  	_ =	shalt  }
0x4e: {  	_ =	shalt  }
0x4f: {  	_ =	shalt  }
0x50: {  	_ =	shalt  }
0x51: {  	_ =	shalt  }
0x52: {  	_ =	shalt  }
0x53: {  	_ =	shalt  }
0x54: {  	_ =	shalt  }
0x55: {  	_ =	shalt  }
0x56: {  	_ =	shalt  }
0x57: {  	_ =	shalt  }
0x58: {  	_ =	shalt  }
0x59: {  	_ =	shalt  }
0x5a: {  	_ =	shalt  }
0x5b: {  	_ =	shalt  }
0x5c: {  	_ =	shalt  }
0x5d: {  	_ =	shalt  }
0x5e: {  	_ =	shalt  }
0x5f: {  	_ =	shalt  }
0x60: {  	_ =	shalt  }
0x61: {  	_ =	shalt  }
0x62: {  	_ =	shalt  }
0x63: {  	_ =	shalt  }
0x64: {  	_ =	shalt  }
0x65: {  	_ =	shalt  }
0x66: {  	_ =	shalt  }
0x67: {  	_ =	shalt  }
0x68: {  	_ =	shalt  }
0x69: {  	_ =	shalt  }
0x6a: {  	_ =	shalt  }
0x6b: {  	_ =	shalt  }
0x6c: {  	_ =	shalt  }
0x6d: {  	_ =	shalt  }
0x6e: {  	_ =	shalt  }
0x6f: {  	_ =	shalt  }
0x70: {  	_ =	shalt  }
0x71: {  	_ =	shalt  }
0x72: {  	_ =	shalt  }
0x73: {  	_ =	shalt  }
0x74: {  	_ =	shalt  }
0x75: {  	_ =	shalt  }
0x76: {  	_ =	shalt  }
0x77: {  	_ =	shalt  }
0x78: {  	_ =	shalt  }
0x79: {  	_ =	shalt  }
0x7a: {  	_ =	shalt  }
0x7b: {  	_ =	shalt  }
0x7c: {  	_ =	shalt  }
0x7d: {  	_ =	shalt  }
0x7e: {  	_ =	shalt  }
0x7f: {  	_ =	shalt  }
0x80: {  	_ =	shalt  }
0x81: {  	_ =	shalt  }
0x82: {  	_ =	shalt  }
0x83: {  	_ =	shalt  }
0x84: {  	_ =	shalt  }
0x85: {  	_ =	shalt  }
0x86: {  	_ =	shalt  }
0x87: {  	_ =	shalt  }
.Lfunc_end0:
.L_simem_size_0:
called_computation_lowered:
.L_overlay_start_0:
0x88: {  	s2 =	sld [smem:$0x3FD9]  }
0x89: {  	s3 =	sld [smem:$0x3FFE];
	_ =	sdelay $0x1  }
0x8a: {  	s1 =	srdreg.scid  }
0x8b: {  	s0 =	sand.u32 $0x1, s1  }
0x8c: {  	s17 =	sshll.u32 s0, $0xA;
	s2 =	sadd.s32 s3, s2  }
0x8d: {  	s2 =	sadd.s32 s2, s17  }
0x8e: {  	[smem:$0x3FC6] =	sst s2  }
0x8f: {  	_ = 	snop  }
0x90: {  	s2 =	sld [smem:$0x3FC8]  }
0x91: {  	s18 =	sld [smem:$0x3FD0];
	(tm) =	ssettm $0x1  }
0x92: {  	s4 =	sld [smem:$0x3FFB];
	_ =	sdelay $0x3  }
0x93: {  	_ =	strace s4  }
0x94: {  	s4 =	sld [smem:$0x3FFC];
	_ =	sdelay $0x3  }
0x95: {  	_ =	strace s4  }
0x96: {  	s4 =	sld [smem:$0x3FFD];
	_ =	sdelay $0x3  }
0x97: {  	_ =	strace s4  }
0x98: {  	_ =	strace $0x8FFFFFFF  }
0x99: {  	s19 =	sld [smem:$0x3FDB];
	_ =	sdelay $0x1  }
0x9a: {  	s5 =	simm.s32 $_scs_section_size  }
0x9b: {  	s6 =	simm.s32 $_size__tile_overlayer_lowered;
	s7 =	simm.s32 $_tile_overlayer_lowered  }
0x9c: {  	s22 =	simm.s32 $0x1BFF;
	s21 =	sshll.u32 s7, $0x1;
	s4 =	sadd.s32 s5, s19  }
0x9d: {  	s8 =	simm.s32 $0x0;
	s20 =	sshll.u32 s6, $0x1;
	s6 =	sadd.s32 s21, s4  }
0x9e: {  	[timem:s8], [sflag:s22] =	dma.local [hbm:s6], s20  }
0x9f: {  	_ =	swait.ge [sflag:s22], s20  }
0xa0: {  	s5 =	ssub.s32 $0x0, s20;
	[sflag:s22] =	ssyncset.done $0x0  }
0xa1: {  	[sflag:s22] =	ssyncadd.s32 s5;
	_ =	sdelay $0x1  }
0xa2: {  	s23 =	simm.s32 $0x1B8B  }
0xa3: {  	_ =	swait.ge [sflag:s23], $0x1  }
0xa4: {  	[sflag:s23] =	ssyncset.done $0x0  }
0xa5: {  	s25 =	simm.s32 $0x1B8E;
	s24 =	sld [smem:$0x3FFE];
	[sflag:s23] =	ssyncadd.s32 $0xFFFFFFFF  }
0xa6: {  	s26 =	simm.s32 $execute0_lowered;
	[smem:$0x3FD2] =	sst s25  }
0xa7: {  	s6 =	sshll.u32 s26, $0x1;
	_ =	strace $0x80000046;
	[dreg:$0x1] =	wrdreg $0xFFFFFFFF  }
0xa8: {  	s28 =	simm.s32 $_size_execute0_lowered;
	s4 =	sadd.s32 s4, s6;
	[dreg:$0x0] =	wrdreg $0x0  }
0xa9: {  	s6 =	sshll.u32 s28, $0x1;
	[dreg:$0x2] =	wrdreg s4  }
0xaa: {  	[dreg:$0x3] =	wrdreg s6  }
0xab: {  	[dreg:$0x4] =	wrdreg $0xC0  }
0xac: {  	_ =	task [dreg:s8], $0x5FFFF  }
0xad: {  	[dreg:$0x1] =	wrdreg $0xFFFFFFFF  }
0xae: {  	[dreg:$0x0] =	wrdreg $0x60  }
0xaf: {  	[dreg:$0x2] =	wrdreg s24  }
0xb0: {  	[dreg:$0x3] =	wrdreg s2  }
0xb1: {  	[dreg:$0x4] =	wrdreg s18  }
0xb2: {  	[dreg:$0x5] =	wrdreg $0x9  }
0xb3: {  	_ =	task.clear_ibuf [dreg:s8], $0x6FFFF;
	_ =	strace $0x90000046  }
0xb4: {  	s29 =	simm.s32 $0x9;
	_ =	strace $0x80000048  }
0xb5: {  	_ =	swait.ge [sflag:s29], $0x1  }
0xb6: {  	[sflag:s29] =	ssyncadd.s32 $0xFFFFFFFF  }
0xb7: {  	_ =	strace $0x90000048  }
0xb8: {  	_ =	sfence  }
0xb9: {  	s30 =	sld [smem:$0x0];
	_ =	sdelay $0x2  }
0xba: {  	s31 =	sshll.u32 s1, $0xD;
	s1 =	sshrl.u32 s1, $0x2  }
0xbb: {  	s3 =	sand.u32 $0x4000, s31;
	s1 =	sadd.s32 s1, s30  }
0xbc: {  	s0 =	sor.u32 s3, s0;
	s1 =	sshll.u32 s1, $0x11  }
0xbd: {  	s0 =	sor.u32 s1, s0  }
0xbe: {  	s0 =	sadd.s32 $0x8F2B, s0  }
0xbf: {  	[sflag:s0] =	ssyncadd.remote.s32 $0x1  }
0xc0: {  	_ =	sfence.sel $0xFFFF  }
0xc1: {  	[dreg:$0x0] =	wrdreg $0xFFFFFFFF;
	(pc) =	sbr.abs _section_cstart, $3  }
0xc2: {  	[dreg:$0x1] =	wrdreg $0xFFFFFFFF  }
0xc3: {  	_ =	task.clear_ibuf [dreg:s8], $0x2FFFF;
	_ =	strace $0x9FFFFFFF  }
0xc4: {  	(tm) =	ssettm $0x7FFFFFFF  }
0xc5: {  	_ =	shalt  }
tec
execute0_lowered:
.L_overlay_start_1:
0x0: {  	(tag) =	ssettag $0x1  }
0x1: {  	s0 =	rddreg [dreg:$0x0]  }
0x2: {  	s1 =	rddreg [dreg:$0x1]  }
0x3: {  	s3 =	rddreg [dreg:$0x2];
	s2 =	srdreg.scid  }
0x4: {  	s4 =	simm.s32 $0x0;
	s5 =	stileid.u32;
	s16 =	simm.s32 $0x1000  }
0x5: {  	s17 =	simm.s32 $0x2080;
	s18 =	simm.s32 $0x1;
	s19 =	simm.s32 $0x2200  }
0x6: {  	s20 =	simm.s32 $0x2;
	s21 =	simm.s32 $0xA200;
	s22 =	simm.s32 $0x3  }
0x7: {  	s23 =	simm.s32 $0x4;
	s24 =	simm.s32 $0x0;
	s2 =	sand.u32 $0x1, s2  }
0x8: {  	[smem:$0x7FF] =	sst s4;
	s5 =	sshll.u32 s5, $0x1;
	s6 =	ssub.s32 $0x2, s2  }
0x9: {  	_ =	strace $0x80000047;
	s2 =	sor.u32 s2, s5;
	s5 =	sadd.s32 $0x400, s0  }
0xa: {  	v0 =	vlaneseq.u32;
	s7 =	sshrl.u32 s6, $0x1;
	s31 =	sshll.u32 s2, $0xF;
	s8 =	sshll.u32 s2, $0xA  }
.Ltmp0:
0xb: {  	v0 =	vmul.u32 $0x100, v0;
	s30 =	ssub.s32 s6, s7;
	s6 =	sshll.u32 s2, $0xD;
	(pc) =	sbr.rel .LBB2_1-.Ltmp0, $4  }
0xc: {  	s7 =	sadd.s32 s5, s31;
	s8 =	sadd.s32 s1, s8;
	s2 =	sshll.u32 s2, $0x12  }
0xd: {  	v1 =	vimm.f32 $0.0e+00;
	v2 =	vor.u32 $0x1000, v0;
	s10 =	sor.u32 $0x80, s6;
	s11 =	sadd.s32 s3, s2;
	s12 =	sor.u32 $0x100, s6  }
0xe: {  	v3 =	vor.u32 $0x2000, v0;
	v4 =	vor.u32 $0x3000, v0;
	v5 =	vor.u32 $0x4000, v0;
	s13 =	sor.u32 $0x180, s6;
	s9 =	sshll.u32 s10, $0x2;
	s10 =	sshrl.u32 s10, $0x3  }
0xf: {  	v6 =	vor.u32 $0x5000, v0;
	v7 =	vor.u32 $0x6000, v0;
	v8 =	vor.u32 $0x7000, v0;
	s14 =	smax.u32 s30, $0x1;
	s9 =	sadd.s32 s5, s9;
	s10 =	sadd.s32 s1, s10  }
.LBB2_18:
0x10: {  	s24 =	sadd.s32 $0x1, s24  }
0x11: {  	_ =	swait.ge [sflag:s22], $0x8000;
	p0 =	sne.s32 s24, s14  }
.Ltmp1:
0x12: {  	[sflag:s22] =	ssyncset.done $0x0;
	(pc) =	sbr.rel @!p0 .LBB2_19-.Ltmp1, $4  }
0x13: {  	[sflag:s22] =	ssyncadd.s32 $0xFFFF8000  }
0x14: {  	_ =	swait.ge [sflag:s23], $0x8000  }
0x15: {  	[sflag:s23] =	ssyncset.done $0x0  }
0x16: {  	[sflag:s23] =	ssyncadd.s32 $0xFFFF8000  }
.LBB2_1:
0x17: {  	s0 =	simm.s32 $0x40;
	s25 =	simm.s32 $0x0  }
.LBB2_2:
0x18: {  	p0 =	sne.s32 s0, $0x1FFC0;
	[tilespmem:s25+$0x2200] =	vst v1;
	s2 =	smov.u32 s0;
	s0 =	sadd.s32 $0x40, s0  }
.Ltmp2:
0x19: {  	[tilespmem:s25+$0xA200] =	vst v1;
	(pc) =	sbr.rel @p0 .LBB2_2-.Ltmp2, $2  }
0x1a: {  	_ =	sdelay $0x2  }
0x1b: {  	s25 =	sshra.s32 s2, $0x2  }
0x1c: {  	[tilespmem:s25+$0x2200] =	vst v1  }
0x1d: {  	[tilespmem:s25+$0xA200] =	vst v1;
	s25 =	simm.s32 $0x0  }
0x1e: {  	[tilespmem:s25], [sflag:$0x1] =	stream.linear.gather [hbm4b:s7+s25], $0x1000, $0x38;
	[tilespmem:$0x12200] =	vst v63  }
0x1f: {  	s0 =	simm.s32 $0x2000  }
0x20: {  	[tilespmem:s0], [sflag:$0x1] =	stream.linear.gather [hbm4b:s8+s25], $0x80, $0x38;
	[tilespmem:$0x12200] =	vst v63  }
0x21: {  	_ = 	snop  }
0x22: {  	[tilespmem:s16], [sflag:$0x2] =	stream.linear.gather [hbm4b:s9+s25], $0x1000, $0x38;
	[tilespmem:$0x12200] =	vst v63  }
0x23: {  	_ = 	snop  }
0x24: {  	[tilespmem:s17], [sflag:$0x2] =	stream.linear.gather [hbm4b:s10+s25], $0x80, $0x38;
	[tilespmem:$0x12200] =	vst v63  }
.LBB2_4:
0x25: {  	_ =	swait.ge [sflag:s18], $0x1000;
	p0 =	seq.s32 s25, $0x0  }
.Ltmp3:
0x26: {  	[sflag:s18] =	ssyncset.done $0x0;
	(pc) =	sbr.rel @p0 .LBB2_8-.Ltmp3, $4  }
0x27: {  	[sflag:s18] =	ssyncadd.s32 $0xFFFFF000  }
0x28: {  	_ =	swait.ge [sflag:s18], $0x80  }
0x29: {  	[sflag:s18] =	ssyncset.done $0x0  }
0x2a: {  	[sflag:s18] =	ssyncadd.s32 $0xFFFFFF80  }
0x2b: {  	_ =	swait.ge [sflag:s22], $0x8000  }
0x2c: {  	[sflag:s22] =	ssyncset.done $0x0  }
0x2d: {  	s0 =	simm.s32 $0x0;
	[sflag:s22] =	ssyncadd.s32 $0xFFFF8000  }
0x2e: {  	v9 =	vld [tilespmem:s0+$0x2100];
	_ =	sdelay $0x4  }
0x2f: {  	(v2sf) =	vpush v9, $0x0  }
0x30: {  	(v2sf) =	vpush v9, $0x1  }
0x31: {  	(v2sf) =	vpush v9, $0x2;
	_ =	sdelay $0x3  }
0x32: {  	(v2sf) =	vpush v9, $0x3;
	_ =	sdelay $0x1  }
0x33: {  	(v2sf) =	vpush v9, $0x4;
	_ =	sdelay $0x1  }
0x34: {  	(v2sf) =	vpush v9, $0x5;
	_ =	sdelay $0x1  }
0x35: {  	(v2sf) =	vpush v9, $0x6;
	_ =	sdelay $0x1  }
0x36: {  	(v2sf) =	vpush v9, $0x7  }
0x37: {  	s2 =	spop (v2sf)  }
0x38: {  	[tilespmem:s2+$0x2200] =	vst v1;
	s15 =	spop (v2sf)  }
0x39: {  	[tilespmem:s2+$0x2210] =	vst v1;
	s26 =	spop (v2sf);
	(v2sf) =	vpush v9, $0x8  }
0x3a: {  	[tilespmem:s15+$0x2200] =	vst v1  }
0x3b: {  	[tilespmem:s15+$0x2210] =	vst v1;
	(v2sf) =	vpush v9, $0x9  }
0x3c: {  	[tilespmem:s26+$0x2200] =	vst v1  }
0x3d: {  	[tilespmem:s26+$0x2210] =	vst v1;
	s28 =	spop (v2sf);
	(v2sf) =	vpush v9, $0xA  }
0x3e: {  	[tilespmem:s28+$0x2200] =	vst v1  }
0x3f: {  	[tilespmem:s28+$0x2210] =	vst v1;
	s29 =	spop (v2sf);
	(v2sf) =	vpush v9, $0xB  }
0x40: {  	[tilespmem:s29+$0x2200] =	vst v1  }
0x41: {  	[tilespmem:s29+$0x2210] =	vst v1;
	s30 =	spop (v2sf);
	(v2sf) =	vpush v9, $0xC  }
0x42: {  	[tilespmem:s30+$0x2200] =	vst v1  }
0x43: {  	[tilespmem:s30+$0x2210] =	vst v1;
	s31 =	spop (v2sf);
	(v2sf) =	vpush v9, $0xD  }
0x44: {  	[tilespmem:s31+$0x2200] =	vst v1  }
0x45: {  	[tilespmem:s31+$0x2210] =	vst v1;
	s0 =	spop (v2sf);
	(v2sf) =	vpush v9, $0xE  }
0x46: {  	s26 =	simm.s32 $0x40;
	[tilespmem:s0+$0x2200] =	vst v1;
	(v2sf) =	vpush v9, $0xF  }
.LBB2_6:
0x47: {  	p1 =	sne.s32 s26, $0x1C0  }
0x48: {  	[tilespmem:s0+$0x2210] =	vst v1;
	s0 =	spop (v2sf);
	s2 =	smov.u32 s26;
	s26 =	sadd.s32 $0x40, s26  }
0x49: {  	[tilespmem:s0+$0x2200] =	vst v1  }
0x4a: {  	[tilespmem:s0+$0x2210] =	vst v1;
	s0 =	spop (v2sf)  }
0x4b: {  	[tilespmem:s0+$0x2200] =	vst v1  }
0x4c: {  	[tilespmem:s0+$0x2210] =	vst v1;
	s0 =	spop (v2sf)  }
0x4d: {  	[tilespmem:s0+$0x2200] =	vst v1  }
0x4e: {  	[tilespmem:s0+$0x2210] =	vst v1;
	s0 =	spop (v2sf)  }
0x4f: {  	[tilespmem:s0+$0x2200] =	vst v1  }
0x50: {  	[tilespmem:s0+$0x2210] =	vst v1;
	s0 =	spop (v2sf)  }
0x51: {  	[tilespmem:s0+$0x2200] =	vst v1  }
0x52: {  	[tilespmem:s0+$0x2210] =	vst v1;
	s0 =	spop (v2sf)  }
0x53: {  	[tilespmem:s0+$0x2200] =	vst v1  }
0x54: {  	[tilespmem:s0+$0x2210] =	vst v1;
	s0 =	spop (v2sf)  }
0x55: {  	[tilespmem:s0+$0x2200] =	vst v1  }
0x56: {  	[tilespmem:s0+$0x2210] =	vst v1;
	s0 =	spop (v2sf)  }
0x57: {  	[tilespmem:s0+$0x2200] =	vst v1  }
0x58: {  	s2 =	sshra.s32 s2, $0x2;
	[tilespmem:s0+$0x2210] =	vst v1  }
0x59: {  	v9 =	vld [tilespmem:s2+$0x2100];
	_ =	sdelay $0x4  }
0x5a: {  	(v2sf) =	vpush v9, $0x0;
	_ =	sdelay $0x1  }
0x5b: {  	(v2sf) =	vpush v9, $0x1;
	_ =	sdelay $0x1  }
0x5c: {  	(v2sf) =	vpush v9, $0x2;
	_ =	sdelay $0x1  }
0x5d: {  	(v2sf) =	vpush v9, $0x3;
	_ =	sdelay $0x1  }
0x5e: {  	(v2sf) =	vpush v9, $0x4;
	_ =	sdelay $0x1  }
0x5f: {  	(v2sf) =	vpush v9, $0x5;
	_ =	sdelay $0x1  }
0x60: {  	(v2sf) =	vpush v9, $0x6;
	_ =	sdelay $0x1  }
0x61: {  	(v2sf) =	vpush v9, $0x7  }
0x62: {  	s0 =	spop (v2sf)  }
0x63: {  	[tilespmem:s0+$0x2200] =	vst v1;
	(v2sf) =	vpush v9, $0x8  }
0x64: {  	[tilespmem:s0+$0x2210] =	vst v1;
	s0 =	spop (v2sf)  }
0x65: {  	[tilespmem:s0+$0x2200] =	vst v1;
	(v2sf) =	vpush v9, $0x9  }
0x66: {  	[tilespmem:s0+$0x2210] =	vst v1;
	s0 =	spop (v2sf)  }
0x67: {  	[tilespmem:s0+$0x2200] =	vst v1;
	(v2sf) =	vpush v9, $0xA  }
0x68: {  	[tilespmem:s0+$0x2210] =	vst v1;
	s0 =	spop (v2sf)  }
0x69: {  	[tilespmem:s0+$0x2200] =	vst v1;
	(v2sf) =	vpush v9, $0xB  }
0x6a: {  	[tilespmem:s0+$0x2210] =	vst v1;
	s0 =	spop (v2sf)  }
0x6b: {  	[tilespmem:s0+$0x2200] =	vst v1;
	(v2sf) =	vpush v9, $0xC  }
0x6c: {  	[tilespmem:s0+$0x2210] =	vst v1;
	s0 =	spop (v2sf)  }
.Ltmp4:
0x6d: {  	[tilespmem:s0+$0x2200] =	vst v1;
	(v2sf) =	vpush v9, $0xD;
	(pc) =	sbr.rel @p1 .LBB2_6-.Ltmp4, $4  }
0x6e: {  	[tilespmem:s0+$0x2210] =	vst v1;
	s0 =	spop (v2sf)  }
0x6f: {  	[tilespmem:s0+$0x2200] =	vst v1;
	(v2sf) =	vpush v9, $0xE  }
0x70: {  	[tilespmem:s0+$0x2210] =	vst v1;
	s0 =	spop (v2sf)  }
0x71: {  	[tilespmem:s0+$0x2200] =	vst v1;
	(v2sf) =	vpush v9, $0xF  }
0x72: {  	[tilespmem:s0+$0x2210] =	vst v1;
	s31 =	spop (v2sf)  }
0x73: {  	[tilespmem:s31+$0x2200] =	vst v1  }
0x74: {  	[tilespmem:s31+$0x2210] =	vst v1;
	s2 =	spop (v2sf)  }
0x75: {  	[tilespmem:s2+$0x2200] =	vst v1  }
0x76: {  	[tilespmem:s2+$0x2210] =	vst v1;
	s15 =	spop (v2sf)  }
0x77: {  	[tilespmem:s15+$0x2200] =	vst v1  }
0x78: {  	[tilespmem:s15+$0x2210] =	vst v1;
	s26 =	spop (v2sf)  }
0x79: {  	[tilespmem:s26+$0x2200] =	vst v1  }
0x7a: {  	[tilespmem:s26+$0x2210] =	vst v1;
	s28 =	spop (v2sf)  }
0x7b: {  	[tilespmem:s28+$0x2200] =	vst v1  }
0x7c: {  	[tilespmem:s28+$0x2210] =	vst v1;
	s29 =	spop (v2sf)  }
0x7d: {  	[tilespmem:s29+$0x2200] =	vst v1  }
0x7e: {  	[tilespmem:s29+$0x2210] =	vst v1;
	s30 =	spop (v2sf)  }
0x7f: {  	[tilespmem:s30+$0x2200] =	vst v1  }
0x80: {  	[tilespmem:s30+$0x2210] =	vst v1;
	s31 =	spop (v2sf)  }
0x81: {  	[tilespmem:s31+$0x2200] =	vst v1  }
0x82: {  	[tilespmem:s31+$0x2210] =	vst v1  }
.LBB2_8:
0x83: {  	v9 =	vld [tilespmem:$0x2000]  }
0x84: {  	v10 =	vld [tilespmem:$0x2010]  }
0x85: {  	v11 =	vld [tilespmem:$0x2020]  }
0x86: {  	v12 =	vld [tilespmem:$0x2030]  }
0x87: {  	v13 =	vld [tilespmem:$0x2040]  }
0x88: {  	v14 =	vld [tilespmem:$0x2050];
	v9 =	vshll.u32 v9, $0x5  }
0x89: {  	v15 =	vld [tilespmem:$0x2060];
	v10 =	vshll.u32 v10, $0x5;
	v9 =	vadd.s32 v0, v9  }
0x8a: {  	[tilespmem:$0x2100] =	vst v9;
	v9 =	vadd.s32 v2, v10;
	v10 =	vshll.u32 v11, $0x5;
	v11 =	vld [tilespmem:$0x2070]  }
0x8b: {  	[tilespmem:$0x2110] =	vst v9;
	v9 =	vadd.s32 v3, v10;
	v10 =	vshll.u32 v12, $0x5  }
0x8c: {  	[tilespmem:$0x2120] =	vst v9;
	v9 =	vadd.s32 v4, v10;
	v10 =	vshll.u32 v13, $0x5  }
0x8d: {  	[tilespmem:$0x2130] =	vst v9;
	v9 =	vadd.s32 v5, v10;
	v10 =	vshll.u32 v14, $0x5  }
0x8e: {  	[tilespmem:$0x2140] =	vst v9;
	v9 =	vadd.s32 v6, v10;
	v10 =	vshll.u32 v15, $0x5  }
0x8f: {  	[tilespmem:$0x2150] =	vst v9;
	v9 =	vadd.s32 v7, v10;
	v10 =	vshll.u32 v11, $0x5  }
0x90: {  	[tilespmem:$0x2160] =	vst v9;
	v9 =	vadd.s32 v8, v10  }
0x91: {  	s0 =	simm.s32 $0x0;
	[tilespmem:$0x2170] =	vst v9  }
0x92: {  	v9 =	vld [tilespmem:s0+$0x2100];
	_ =	sdelay $0x4  }
0x93: {  	(v2sf) =	vpush v9, $0x0;
	_ =	sdelay $0x9  }
0x94: {  	s28 =	simm.s32 $0x100  }
0x95: {  	v10 =	vld [tilespmem:s28+$0xFFFFFF00]  }
0x96: {  	(v2sf) =	vpush v9, $0x1;
	_ =	sdelay $0x2  }
0x97: {  	s15 =	spop (v2sf)  }
0x98: {  	[tilespmem:s15+$0x2200] =	vst v10  }
0x99: {  	v10 =	vld [tilespmem:s28+$0xFFFFFF10];
	_ =	sdelay $0x4  }
0x9a: {  	[tilespmem:s15+$0x2210] =	vst v10  }
0x9b: {  	v10 =	vld [tilespmem:s28+$0xFFFFFF20]  }
0x9c: {  	(v2sf) =	vpush v9, $0x2;
	_ =	sdelay $0x2  }
0x9d: {  	s26 =	spop (v2sf)  }
0x9e: {  	[tilespmem:s26+$0x2200] =	vst v10  }
0x9f: {  	v10 =	vld [tilespmem:s28+$0xFFFFFF30];
	_ =	sdelay $0x4  }
0xa0: {  	[tilespmem:s26+$0x2210] =	vst v10  }
0xa1: {  	v10 =	vld [tilespmem:s28+$0xFFFFFF40]  }
0xa2: {  	(v2sf) =	vpush v9, $0x3;
	_ =	sdelay $0x2  }
0xa3: {  	s30 =	spop (v2sf)  }
0xa4: {  	[tilespmem:s30+$0x2200] =	vst v10  }
0xa5: {  	v10 =	vld [tilespmem:s28+$0xFFFFFF50];
	_ =	sdelay $0x4  }
0xa6: {  	[tilespmem:s30+$0x2210] =	vst v10  }
0xa7: {  	v10 =	vld [tilespmem:s28+$0xFFFFFF60]  }
0xa8: {  	(v2sf) =	vpush v9, $0x4;
	_ =	sdelay $0x2  }
0xa9: {  	s2 =	spop (v2sf)  }
0xaa: {  	[tilespmem:s2+$0x2200] =	vst v10  }
0xab: {  	v10 =	vld [tilespmem:s28+$0xFFFFFF70];
	_ =	sdelay $0x4  }
0xac: {  	[tilespmem:s2+$0x2210] =	vst v10  }
0xad: {  	v10 =	vld [tilespmem:s28+$0xFFFFFF80]  }
0xae: {  	(v2sf) =	vpush v9, $0x5;
	_ =	sdelay $0x2  }
0xaf: {  	s15 =	spop (v2sf)  }
0xb0: {  	[tilespmem:s15+$0x2200] =	vst v10  }
0xb1: {  	v10 =	vld [tilespmem:s28+$0xFFFFFF90];
	_ =	sdelay $0x4  }
0xb2: {  	[tilespmem:s15+$0x2210] =	vst v10  }
0xb3: {  	v10 =	vld [tilespmem:s28+$0xFFFFFFA0]  }
0xb4: {  	(v2sf) =	vpush v9, $0x6;
	_ =	sdelay $0x2  }
0xb5: {  	s26 =	spop (v2sf)  }
0xb6: {  	[tilespmem:s26+$0x2200] =	vst v10  }
0xb7: {  	v10 =	vld [tilespmem:s28+$0xFFFFFFB0];
	_ =	sdelay $0x4  }
0xb8: {  	[tilespmem:s26+$0x2210] =	vst v10  }
0xb9: {  	v10 =	vld [tilespmem:s28+$0xFFFFFFC0]  }
0xba: {  	(v2sf) =	vpush v9, $0x7;
	_ =	sdelay $0x2  }
0xbb: {  	s30 =	spop (v2sf)  }
0xbc: {  	[tilespmem:s30+$0x2200] =	vst v10  }
0xbd: {  	v10 =	vld [tilespmem:s28+$0xFFFFFFD0];
	_ =	sdelay $0x4  }
0xbe: {  	[tilespmem:s30+$0x2210] =	vst v10  }
0xbf: {  	v10 =	vld [tilespmem:s28+$0xFFFFFFE0]  }
0xc0: {  	(v2sf) =	vpush v9, $0x8;
	_ =	sdelay $0x2  }
0xc1: {  	s2 =	spop (v2sf)  }
0xc2: {  	[tilespmem:s2+$0x2200] =	vst v10  }
0xc3: {  	v10 =	vld [tilespmem:s28+$0xFFFFFFF0];
	_ =	sdelay $0x4  }
0xc4: {  	[tilespmem:s2+$0x2210] =	vst v10  }
0xc5: {  	v10 =	vld [tilespmem:s28+$0x0]  }
0xc6: {  	(v2sf) =	vpush v9, $0x9;
	_ =	sdelay $0x2  }
0xc7: {  	s15 =	spop (v2sf)  }
0xc8: {  	[tilespmem:s15+$0x2200] =	vst v10  }
0xc9: {  	v10 =	vld [tilespmem:s28+$0x10];
	_ =	sdelay $0x4  }
0xca: {  	[tilespmem:s15+$0x2210] =	vst v10  }
0xcb: {  	v10 =	vld [tilespmem:s28+$0x20]  }
0xcc: {  	(v2sf) =	vpush v9, $0xA;
	_ =	sdelay $0x2  }
0xcd: {  	s26 =	spop (v2sf)  }
0xce: {  	[tilespmem:s26+$0x2200] =	vst v10  }
0xcf: {  	v10 =	vld [tilespmem:s28+$0x30];
	_ =	sdelay $0x4  }
0xd0: {  	[tilespmem:s26+$0x2210] =	vst v10  }
0xd1: {  	v10 =	vld [tilespmem:s28+$0x40]  }
0xd2: {  	(v2sf) =	vpush v9, $0xB;
	_ =	sdelay $0x2  }
0xd3: {  	s30 =	spop (v2sf)  }
0xd4: {  	[tilespmem:s30+$0x2200] =	vst v10  }
0xd5: {  	v10 =	vld [tilespmem:s28+$0x50];
	_ =	sdelay $0x4  }
0xd6: {  	[tilespmem:s30+$0x2210] =	vst v10  }
0xd7: {  	v10 =	vld [tilespmem:s28+$0x60]  }
0xd8: {  	(v2sf) =	vpush v9, $0xC;
	_ =	sdelay $0x2  }
0xd9: {  	s2 =	spop (v2sf)  }
0xda: {  	[tilespmem:s2+$0x2200] =	vst v10  }
0xdb: {  	v10 =	vld [tilespmem:s28+$0x70];
	_ =	sdelay $0x4  }
0xdc: {  	[tilespmem:s2+$0x2210] =	vst v10  }
0xdd: {  	v10 =	vld [tilespmem:s28+$0x80]  }
0xde: {  	(v2sf) =	vpush v9, $0xD;
	_ =	sdelay $0x2  }
0xdf: {  	s15 =	spop (v2sf)  }
0xe0: {  	[tilespmem:s15+$0x2200] =	vst v10  }
0xe1: {  	v10 =	vld [tilespmem:s28+$0x90];
	_ =	sdelay $0x4  }
0xe2: {  	[tilespmem:s15+$0x2210] =	vst v10  }
0xe3: {  	v10 =	vld [tilespmem:s28+$0xA0]  }
0xe4: {  	(v2sf) =	vpush v9, $0xE;
	_ =	sdelay $0x2  }
0xe5: {  	s26 =	spop (v2sf)  }
0xe6: {  	[tilespmem:s26+$0x2200] =	vst v10  }
0xe7: {  	v10 =	vld [tilespmem:s28+$0xB0];
	_ =	sdelay $0x4  }
0xe8: {  	[tilespmem:s26+$0x2210] =	vst v10  }
0xe9: {  	v10 =	vld [tilespmem:s28+$0xC0]  }
0xea: {  	(v2sf) =	vpush v9, $0xF;
	_ =	sdelay $0x2  }
0xeb: {  	s30 =	spop (v2sf)  }
0xec: {  	[tilespmem:s30+$0x2200] =	vst v10  }
0xed: {  	v9 =	vld [tilespmem:s28+$0xD0];
	_ =	sdelay $0x4  }
0xee: {  	[tilespmem:s30+$0x2210] =	vst v9  }
0xef: {  	v9 =	vld [tilespmem:s28+$0xE0];
	_ =	sdelay $0x3  }
0xf0: {  	s0 =	spop (v2sf)  }
0xf1: {  	[tilespmem:s0+$0x2200] =	vst v9  }
0xf2: {  	s29 =	simm.s32 $0x40;
	s31 =	simm.s32 $0x80;
	s26 =	sshll.u32 s25, $0x8;
	v9 =	vld [tilespmem:s28+$0xF0]  }
.LBB2_9:
0xf3: {  	_ =	sdelay $0x2  }
0xf4: {  	s2 =	sshra.s32 s29, $0x2  }
0xf5: {  	s28 =	sadd.s32 $0x200, s28;
	s29 =	smov.u32 s31;
	s30 =	sadd.s32 $0x40, s31;
	[tilespmem:s0+$0x2210] =	vst v9  }
0xf6: {  	p1 =	sne.s32 s31, $0x1C0;
	v9 =	vld [tilespmem:s2+$0x2100];
	_ =	sdelay $0x4  }
0xf7: {  	(v2sf) =	vpush v9, $0x0;
	_ =	sdelay $0xa  }
0xf8: {  	v10 =	vld [tilespmem:s28+$0xFFFFFF00]  }
0xf9: {  	(v2sf) =	vpush v9, $0x1;
	_ =	sdelay $0x2  }
0xfa: {  	s0 =	spop (v2sf)  }
0xfb: {  	[tilespmem:s0+$0x2200] =	vst v10  }
0xfc: {  	v10 =	vld [tilespmem:s28+$0xFFFFFF10];
	_ =	sdelay $0x4  }
0xfd: {  	[tilespmem:s0+$0x2210] =	vst v10  }
0xfe: {  	v10 =	vld [tilespmem:s28+$0xFFFFFF20]  }
0xff: {  	(v2sf) =	vpush v9, $0x2;
	_ =	sdelay $0x2  }
0x100: {  	s0 =	spop (v2sf)  }
0x101: {  	[tilespmem:s0+$0x2200] =	vst v10  }
0x102: {  	v10 =	vld [tilespmem:s28+$0xFFFFFF30];
	_ =	sdelay $0x4  }
0x103: {  	[tilespmem:s0+$0x2210] =	vst v10  }
0x104: {  	v10 =	vld [tilespmem:s28+$0xFFFFFF40]  }
0x105: {  	(v2sf) =	vpush v9, $0x3;
	_ =	sdelay $0x2  }
0x106: {  	s0 =	spop (v2sf)  }
0x107: {  	[tilespmem:s0+$0x2200] =	vst v10  }
0x108: {  	v10 =	vld [tilespmem:s28+$0xFFFFFF50];
	_ =	sdelay $0x4  }
0x109: {  	[tilespmem:s0+$0x2210] =	vst v10  }
0x10a: {  	v10 =	vld [tilespmem:s28+$0xFFFFFF60]  }
0x10b: {  	(v2sf) =	vpush v9, $0x4;
	_ =	sdelay $0x2  }
0x10c: {  	s0 =	spop (v2sf)  }
0x10d: {  	[tilespmem:s0+$0x2200] =	vst v10  }
0x10e: {  	v10 =	vld [tilespmem:s28+$0xFFFFFF70];
	_ =	sdelay $0x4  }
0x10f: {  	[tilespmem:s0+$0x2210] =	vst v10  }
0x110: {  	v10 =	vld [tilespmem:s28+$0xFFFFFF80]  }
0x111: {  	(v2sf) =	vpush v9, $0x5;
	_ =	sdelay $0x2  }
0x112: {  	s0 =	spop (v2sf)  }
0x113: {  	[tilespmem:s0+$0x2200] =	vst v10  }
0x114: {  	v10 =	vld [tilespmem:s28+$0xFFFFFF90];
	_ =	sdelay $0x4  }
0x115: {  	[tilespmem:s0+$0x2210] =	vst v10  }
0x116: {  	v10 =	vld [tilespmem:s28+$0xFFFFFFA0]  }
0x117: {  	(v2sf) =	vpush v9, $0x6;
	_ =	sdelay $0x2  }
0x118: {  	s0 =	spop (v2sf)  }
0x119: {  	[tilespmem:s0+$0x2200] =	vst v10  }
0x11a: {  	v10 =	vld [tilespmem:s28+$0xFFFFFFB0];
	_ =	sdelay $0x4  }
0x11b: {  	[tilespmem:s0+$0x2210] =	vst v10  }
0x11c: {  	v10 =	vld [tilespmem:s28+$0xFFFFFFC0]  }
0x11d: {  	(v2sf) =	vpush v9, $0x7;
	_ =	sdelay $0x2  }
0x11e: {  	s0 =	spop (v2sf)  }
0x11f: {  	[tilespmem:s0+$0x2200] =	vst v10  }
0x120: {  	v10 =	vld [tilespmem:s28+$0xFFFFFFD0];
	_ =	sdelay $0x4  }
0x121: {  	[tilespmem:s0+$0x2210] =	vst v10  }
0x122: {  	v10 =	vld [tilespmem:s28+$0xFFFFFFE0]  }
0x123: {  	(v2sf) =	vpush v9, $0x8;
	_ =	sdelay $0x2  }
0x124: {  	s0 =	spop (v2sf)  }
0x125: {  	[tilespmem:s0+$0x2200] =	vst v10  }
0x126: {  	v10 =	vld [tilespmem:s28+$0xFFFFFFF0];
	_ =	sdelay $0x4  }
0x127: {  	[tilespmem:s0+$0x2210] =	vst v10  }
0x128: {  	v10 =	vld [tilespmem:s28+$0x0]  }
0x129: {  	(v2sf) =	vpush v9, $0x9;
	_ =	sdelay $0x2  }
0x12a: {  	s0 =	spop (v2sf)  }
0x12b: {  	[tilespmem:s0+$0x2200] =	vst v10  }
0x12c: {  	v10 =	vld [tilespmem:s28+$0x10];
	_ =	sdelay $0x4  }
0x12d: {  	[tilespmem:s0+$0x2210] =	vst v10  }
0x12e: {  	v10 =	vld [tilespmem:s28+$0x20]  }
0x12f: {  	(v2sf) =	vpush v9, $0xA;
	_ =	sdelay $0x2  }
0x130: {  	s0 =	spop (v2sf)  }
0x131: {  	[tilespmem:s0+$0x2200] =	vst v10  }
0x132: {  	v10 =	vld [tilespmem:s28+$0x30];
	_ =	sdelay $0x4  }
0x133: {  	[tilespmem:s0+$0x2210] =	vst v10  }
0x134: {  	v10 =	vld [tilespmem:s28+$0x40]  }
0x135: {  	(v2sf) =	vpush v9, $0xB;
	_ =	sdelay $0x2  }
0x136: {  	s0 =	spop (v2sf)  }
0x137: {  	[tilespmem:s0+$0x2200] =	vst v10  }
0x138: {  	v10 =	vld [tilespmem:s28+$0x50];
	_ =	sdelay $0x4  }
0x139: {  	[tilespmem:s0+$0x2210] =	vst v10  }
0x13a: {  	v10 =	vld [tilespmem:s28+$0x60]  }
0x13b: {  	(v2sf) =	vpush v9, $0xC;
	_ =	sdelay $0x2  }
0x13c: {  	s0 =	spop (v2sf)  }
0x13d: {  	[tilespmem:s0+$0x2200] =	vst v10  }
0x13e: {  	v10 =	vld [tilespmem:s28+$0x70];
	_ =	sdelay $0x4  }
0x13f: {  	[tilespmem:s0+$0x2210] =	vst v10  }
0x140: {  	v10 =	vld [tilespmem:s28+$0x80]  }
0x141: {  	(v2sf) =	vpush v9, $0xD;
	_ =	sdelay $0x2  }
0x142: {  	s0 =	spop (v2sf)  }
0x143: {  	[tilespmem:s0+$0x2200] =	vst v10  }
0x144: {  	v10 =	vld [tilespmem:s28+$0x90];
	_ =	sdelay $0x4  }
0x145: {  	[tilespmem:s0+$0x2210] =	vst v10  }
0x146: {  	v10 =	vld [tilespmem:s28+$0xA0]  }
0x147: {  	(v2sf) =	vpush v9, $0xE;
	_ =	sdelay $0x2  }
0x148: {  	s0 =	spop (v2sf)  }
0x149: {  	[tilespmem:s0+$0x2200] =	vst v10  }
0x14a: {  	v10 =	vld [tilespmem:s28+$0xB0];
	_ =	sdelay $0x4  }
0x14b: {  	[tilespmem:s0+$0x2210] =	vst v10  }
0x14c: {  	v10 =	vld [tilespmem:s28+$0xC0]  }
0x14d: {  	(v2sf) =	vpush v9, $0xF;
	_ =	sdelay $0x2  }
0x14e: {  	s0 =	spop (v2sf)  }
0x14f: {  	[tilespmem:s0+$0x2200] =	vst v10  }
0x150: {  	v9 =	vld [tilespmem:s28+$0xD0];
	_ =	sdelay $0x4  }
0x151: {  	[tilespmem:s0+$0x2210] =	vst v9  }
0x152: {  	v9 =	vld [tilespmem:s28+$0xE0];
	_ =	sdelay $0x1  }
.Ltmp5:
0x153: {  	(pc) =	sbr.rel @p1 .LBB2_9-.Ltmp5, $4  }
0x154: {  	_ = 	snop  }
0x155: {  	s0 =	spop (v2sf)  }
0x156: {  	[tilespmem:s0+$0x2200] =	vst v9  }
0x157: {  	s31 =	smov.u32 s30;
	v9 =	vld [tilespmem:s28+$0xF0]  }
0x158: {  	_ =	sdelay $0x3  }
0x159: {  	s2 =	sshra.s32 s29, $0x2;
	[tilespmem:s0+$0x2210] =	vst v9  }
0x15a: {  	v9 =	vld [tilespmem:s2+$0x2100];
	_ =	sdelay $0x4  }
0x15b: {  	(v2sf) =	vpush v9, $0x0;
	_ =	sdelay $0x9  }
0x15c: {  	s28 =	sadd.s32 $0x200, s28  }
0x15d: {  	v10 =	vld [tilespmem:s28+$0xFFFFFF00]  }
0x15e: {  	(v2sf) =	vpush v9, $0x1;
	_ =	sdelay $0x2  }
0x15f: {  	s30 =	spop (v2sf)  }
0x160: {  	[tilespmem:s30+$0x2200] =	vst v10  }
0x161: {  	v10 =	vld [tilespmem:s28+$0xFFFFFF10];
	_ =	sdelay $0x4  }
0x162: {  	[tilespmem:s30+$0x2210] =	vst v10  }
0x163: {  	v10 =	vld [tilespmem:s28+$0xFFFFFF20]  }
0x164: {  	(v2sf) =	vpush v9, $0x2;
	_ =	sdelay $0x2  }
0x165: {  	s31 =	spop (v2sf)  }
0x166: {  	[tilespmem:s31+$0x2200] =	vst v10  }
0x167: {  	v10 =	vld [tilespmem:s28+$0xFFFFFF30];
	_ =	sdelay $0x4  }
0x168: {  	[tilespmem:s31+$0x2210] =	vst v10  }
0x169: {  	v10 =	vld [tilespmem:s28+$0xFFFFFF40]  }
0x16a: {  	(v2sf) =	vpush v9, $0x3;
	_ =	sdelay $0x2  }
0x16b: {  	s2 =	spop (v2sf)  }
0x16c: {  	[tilespmem:s2+$0x2200] =	vst v10  }
0x16d: {  	v10 =	vld [tilespmem:s28+$0xFFFFFF50];
	_ =	sdelay $0x4  }
0x16e: {  	[tilespmem:s2+$0x2210] =	vst v10  }
0x16f: {  	v10 =	vld [tilespmem:s28+$0xFFFFFF60]  }
0x170: {  	(v2sf) =	vpush v9, $0x4;
	_ =	sdelay $0x2  }
0x171: {  	s15 =	spop (v2sf)  }
0x172: {  	[tilespmem:s15+$0x2200] =	vst v10  }
0x173: {  	v10 =	vld [tilespmem:s28+$0xFFFFFF70];
	_ =	sdelay $0x4  }
0x174: {  	[tilespmem:s15+$0x2210] =	vst v10  }
0x175: {  	v10 =	vld [tilespmem:s28+$0xFFFFFF80]  }
0x176: {  	(v2sf) =	vpush v9, $0x5;
	_ =	sdelay $0x2  }
0x177: {  	s29 =	spop (v2sf)  }
0x178: {  	[tilespmem:s29+$0x2200] =	vst v10  }
0x179: {  	v10 =	vld [tilespmem:s28+$0xFFFFFF90];
	_ =	sdelay $0x4  }
0x17a: {  	[tilespmem:s29+$0x2210] =	vst v10  }
0x17b: {  	v10 =	vld [tilespmem:s28+$0xFFFFFFA0]  }
0x17c: {  	(v2sf) =	vpush v9, $0x6;
	_ =	sdelay $0x2  }
0x17d: {  	s30 =	spop (v2sf)  }
0x17e: {  	[tilespmem:s30+$0x2200] =	vst v10  }
0x17f: {  	v10 =	vld [tilespmem:s28+$0xFFFFFFB0];
	_ =	sdelay $0x4  }
0x180: {  	[tilespmem:s30+$0x2210] =	vst v10  }
0x181: {  	v10 =	vld [tilespmem:s28+$0xFFFFFFC0]  }
0x182: {  	(v2sf) =	vpush v9, $0x7;
	_ =	sdelay $0x2  }
0x183: {  	s31 =	spop (v2sf)  }
0x184: {  	[tilespmem:s31+$0x2200] =	vst v10  }
0x185: {  	v10 =	vld [tilespmem:s28+$0xFFFFFFD0];
	_ =	sdelay $0x4  }
0x186: {  	[tilespmem:s31+$0x2210] =	vst v10  }
0x187: {  	v10 =	vld [tilespmem:s28+$0xFFFFFFE0]  }
0x188: {  	(v2sf) =	vpush v9, $0x8;
	_ =	sdelay $0x2  }
0x189: {  	s2 =	spop (v2sf)  }
0x18a: {  	[tilespmem:s2+$0x2200] =	vst v10  }
0x18b: {  	v10 =	vld [tilespmem:s28+$0xFFFFFFF0];
	_ =	sdelay $0x4  }
0x18c: {  	[tilespmem:s2+$0x2210] =	vst v10  }
0x18d: {  	v10 =	vld [tilespmem:s28+$0x0]  }
0x18e: {  	(v2sf) =	vpush v9, $0x9;
	_ =	sdelay $0x2  }
0x18f: {  	s15 =	spop (v2sf)  }
0x190: {  	[tilespmem:s15+$0x2200] =	vst v10  }
0x191: {  	v10 =	vld [tilespmem:s28+$0x10];
	_ =	sdelay $0x4  }
0x192: {  	[tilespmem:s15+$0x2210] =	vst v10  }
0x193: {  	v10 =	vld [tilespmem:s28+$0x20]  }
0x194: {  	(v2sf) =	vpush v9, $0xA;
	_ =	sdelay $0x2  }
0x195: {  	s29 =	spop (v2sf)  }
0x196: {  	[tilespmem:s29+$0x2200] =	vst v10  }
0x197: {  	v10 =	vld [tilespmem:s28+$0x30];
	_ =	sdelay $0x4  }
0x198: {  	[tilespmem:s29+$0x2210] =	vst v10  }
0x199: {  	v10 =	vld [tilespmem:s28+$0x40]  }
0x19a: {  	(v2sf) =	vpush v9, $0xB;
	_ =	sdelay $0x2  }
0x19b: {  	s30 =	spop (v2sf)  }
0x19c: {  	[tilespmem:s30+$0x2200] =	vst v10  }
0x19d: {  	v10 =	vld [tilespmem:s28+$0x50];
	_ =	sdelay $0x4  }
0x19e: {  	[tilespmem:s30+$0x2210] =	vst v10  }
0x19f: {  	v10 =	vld [tilespmem:s28+$0x60]  }
0x1a0: {  	(v2sf) =	vpush v9, $0xC;
	_ =	sdelay $0x2  }
0x1a1: {  	s31 =	spop (v2sf)  }
0x1a2: {  	[tilespmem:s31+$0x2200] =	vst v10  }
0x1a3: {  	v10 =	vld [tilespmem:s28+$0x70];
	_ =	sdelay $0x4  }
0x1a4: {  	[tilespmem:s31+$0x2210] =	vst v10  }
0x1a5: {  	v10 =	vld [tilespmem:s28+$0x80]  }
0x1a6: {  	(v2sf) =	vpush v9, $0xD;
	_ =	sdelay $0x2  }
0x1a7: {  	s2 =	spop (v2sf)  }
0x1a8: {  	[tilespmem:s2+$0x2200] =	vst v10  }
0x1a9: {  	v10 =	vld [tilespmem:s28+$0x90];
	_ =	sdelay $0x4  }
0x1aa: {  	[tilespmem:s2+$0x2210] =	vst v10  }
0x1ab: {  	v10 =	vld [tilespmem:s28+$0xA0]  }
0x1ac: {  	(v2sf) =	vpush v9, $0xE;
	_ =	sdelay $0x2  }
0x1ad: {  	s15 =	spop (v2sf)  }
0x1ae: {  	[tilespmem:s15+$0x2200] =	vst v10  }
0x1af: {  	v10 =	vld [tilespmem:s28+$0xB0];
	_ =	sdelay $0x4  }
0x1b0: {  	[tilespmem:s15+$0x2210] =	vst v10  }
0x1b1: {  	v10 =	vld [tilespmem:s28+$0xC0]  }
0x1b2: {  	(v2sf) =	vpush v9, $0xF;
	_ =	sdelay $0x2  }
0x1b3: {  	s29 =	spop (v2sf)  }
0x1b4: {  	[tilespmem:s29+$0x2200] =	vst v10  }
0x1b5: {  	v9 =	vld [tilespmem:s28+$0xD0];
	_ =	sdelay $0x4  }
0x1b6: {  	[tilespmem:s29+$0x2210] =	vst v9  }
0x1b7: {  	v9 =	vld [tilespmem:s28+$0xE0];
	_ =	sdelay $0x3  }
0x1b8: {  	s30 =	spop (v2sf)  }
0x1b9: {  	[tilespmem:s30+$0x2200] =	vst v9  }
0x1ba: {  	v9 =	vld [tilespmem:s28+$0xF0];
	_ =	sdelay $0x4  }
0x1bb: {  	s31 =	sshll.u32 s25, $0xD;
	[tilespmem:s30+$0x2210] =	vst v9  }
0x1bc: {  	p1 =	seq.s32 s25, $0x1F;
	s0 =	sadd.s32 s31, s11;
	[bflag:$0x0] =	sbarrier.arrive $0xFFFF  }
0x1bd: {  	[hbm4b:s0+s4] =	stream.linear.scatter [tilespmem:s19], [sflag:$0x3], $0x8000, $0x38;
	[tilespmem:$0x12200] =	vst v63  }
0x1be: {  	s0 =	sadd.s32 @!p1 s26, s12  }
0x1bf: {  	s2 =	sshll.u32 @!p1 s0, $0x2  }
0x1c0: {  	s2 =	sand.u32 @!p1 $0x1FFFFC00, s2  }
0x1c1: {  	s28 =	simm.s32 @!p1 $0x0;
	s0 =	sshrl.u32 @!p1 s0, $0x3;
	s2 =	sadd.s32 @!p1 s5, s2  }
0x1c2: {  	[tilespmem:s28], [sflag:$0x1] =	stream.linear.gather @!p1 [hbm4b:s2+s28], $0x1000, $0x38;
	[tilespmem:$0x12200] =	vst v63  }
0x1c3: {  	s0 =	sadd.s32 @!p1 s1, s0;
	s2 =	simm.s32 @!p1 $0x2000  }
0x1c4: {  	[tilespmem:s2], [sflag:$0x1] =	stream.linear.gather @!p1 [hbm4b:s0+s28], $0x80, $0x38;
	[tilespmem:$0x12200] =	vst v63  }
0x1c5: {  	_ =	swait.ge [sflag:s20], $0x1000  }
.Ltmp6:
0x1c6: {  	[sflag:s20] =	ssyncset.done $0x0;
	(pc) =	sbr.rel @p0 .LBB2_14-.Ltmp6, $4  }
0x1c7: {  	[sflag:s20] =	ssyncadd.s32 $0xFFFFF000  }
0x1c8: {  	_ =	swait.ge [sflag:s20], $0x80  }
0x1c9: {  	[sflag:s20] =	ssyncset.done $0x0  }
0x1ca: {  	[sflag:s20] =	ssyncadd.s32 $0xFFFFFF80  }
0x1cb: {  	_ =	swait.ge [sflag:s23], $0x8000  }
0x1cc: {  	[sflag:s23] =	ssyncset.done $0x0  }
0x1cd: {  	s0 =	simm.s32 $0x0;
	[sflag:s23] =	ssyncadd.s32 $0xFFFF8000  }
0x1ce: {  	v9 =	vld [tilespmem:s0+$0x2180];
	_ =	sdelay $0x4  }
0x1cf: {  	(v2sf) =	vpush v9, $0x0  }
0x1d0: {  	(v2sf) =	vpush v9, $0x1  }
0x1d1: {  	(v2sf) =	vpush v9, $0x2;
	_ =	sdelay $0x3  }
0x1d2: {  	(v2sf) =	vpush v9, $0x3;
	_ =	sdelay $0x1  }
0x1d3: {  	(v2sf) =	vpush v9, $0x4;
	_ =	sdelay $0x1  }
0x1d4: {  	(v2sf) =	vpush v9, $0x5;
	_ =	sdelay $0x1  }
0x1d5: {  	(v2sf) =	vpush v9, $0x6;
	_ =	sdelay $0x1  }
0x1d6: {  	(v2sf) =	vpush v9, $0x7  }
0x1d7: {  	s30 =	spop (v2sf)  }
0x1d8: {  	[tilespmem:s30+$0xA200] =	vst v1;
	s31 =	spop (v2sf)  }
0x1d9: {  	[tilespmem:s30+$0xA210] =	vst v1;
	s2 =	spop (v2sf);
	(v2sf) =	vpush v9, $0x8  }
0x1da: {  	[tilespmem:s31+$0xA200] =	vst v1  }
0x1db: {  	[tilespmem:s31+$0xA210] =	vst v1;
	(v2sf) =	vpush v9, $0x9  }
0x1dc: {  	[tilespmem:s2+$0xA200] =	vst v1  }
0x1dd: {  	[tilespmem:s2+$0xA210] =	vst v1;
	s15 =	spop (v2sf);
	(v2sf) =	vpush v9, $0xA  }
0x1de: {  	[tilespmem:s15+$0xA200] =	vst v1  }
0x1df: {  	[tilespmem:s15+$0xA210] =	vst v1;
	s29 =	spop (v2sf);
	(v2sf) =	vpush v9, $0xB  }
0x1e0: {  	[tilespmem:s29+$0xA200] =	vst v1  }
0x1e1: {  	[tilespmem:s29+$0xA210] =	vst v1;
	s30 =	spop (v2sf);
	(v2sf) =	vpush v9, $0xC  }
0x1e2: {  	[tilespmem:s30+$0xA200] =	vst v1  }
0x1e3: {  	[tilespmem:s30+$0xA210] =	vst v1;
	s31 =	spop (v2sf);
	(v2sf) =	vpush v9, $0xD  }
0x1e4: {  	[tilespmem:s31+$0xA200] =	vst v1  }
0x1e5: {  	[tilespmem:s31+$0xA210] =	vst v1;
	s0 =	spop (v2sf);
	(v2sf) =	vpush v9, $0xE  }
0x1e6: {  	s28 =	simm.s32 $0x40;
	[tilespmem:s0+$0xA200] =	vst v1;
	(v2sf) =	vpush v9, $0xF  }
.LBB2_12:
0x1e7: {  	p0 =	sne.s32 s28, $0x1C0  }
0x1e8: {  	[tilespmem:s0+$0xA210] =	vst v1;
	s0 =	spop (v2sf);
	s2 =	smov.u32 s28;
	s28 =	sadd.s32 $0x40, s28  }
0x1e9: {  	[tilespmem:s0+$0xA200] =	vst v1  }
0x1ea: {  	[tilespmem:s0+$0xA210] =	vst v1;
	s0 =	spop (v2sf)  }
0x1eb: {  	[tilespmem:s0+$0xA200] =	vst v1  }
0x1ec: {  	[tilespmem:s0+$0xA210] =	vst v1;
	s0 =	spop (v2sf)  }
0x1ed: {  	[tilespmem:s0+$0xA200] =	vst v1  }
0x1ee: {  	[tilespmem:s0+$0xA210] =	vst v1;
	s0 =	spop (v2sf)  }
0x1ef: {  	[tilespmem:s0+$0xA200] =	vst v1  }
0x1f0: {  	[tilespmem:s0+$0xA210] =	vst v1;
	s0 =	spop (v2sf)  }
0x1f1: {  	[tilespmem:s0+$0xA200] =	vst v1  }
0x1f2: {  	[tilespmem:s0+$0xA210] =	vst v1;
	s0 =	spop (v2sf)  }
0x1f3: {  	[tilespmem:s0+$0xA200] =	vst v1  }
0x1f4: {  	[tilespmem:s0+$0xA210] =	vst v1;
	s0 =	spop (v2sf)  }
0x1f5: {  	[tilespmem:s0+$0xA200] =	vst v1  }
0x1f6: {  	[tilespmem:s0+$0xA210] =	vst v1;
	s0 =	spop (v2sf)  }
0x1f7: {  	[tilespmem:s0+$0xA200] =	vst v1  }
0x1f8: {  	s2 =	sshra.s32 s2, $0x2;
	[tilespmem:s0+$0xA210] =	vst v1  }
0x1f9: {  	v9 =	vld [tilespmem:s2+$0x2180];
	_ =	sdelay $0x4  }
0x1fa: {  	(v2sf) =	vpush v9, $0x0;
	_ =	sdelay $0x1  }
0x1fb: {  	(v2sf) =	vpush v9, $0x1;
	_ =	sdelay $0x1  }
0x1fc: {  	(v2sf) =	vpush v9, $0x2;
	_ =	sdelay $0x1  }
0x1fd: {  	(v2sf) =	vpush v9, $0x3;
	_ =	sdelay $0x1  }
0x1fe: {  	(v2sf) =	vpush v9, $0x4;
	_ =	sdelay $0x1  }
0x1ff: {  	(v2sf) =	vpush v9, $0x5;
	_ =	sdelay $0x1  }
0x200: {  	(v2sf) =	vpush v9, $0x6;
	_ =	sdelay $0x1  }
0x201: {  	(v2sf) =	vpush v9, $0x7  }
0x202: {  	s0 =	spop (v2sf)  }
0x203: {  	[tilespmem:s0+$0xA200] =	vst v1;
	(v2sf) =	vpush v9, $0x8  }
0x204: {  	[tilespmem:s0+$0xA210] =	vst v1;
	s0 =	spop (v2sf)  }
0x205: {  	[tilespmem:s0+$0xA200] =	vst v1;
	(v2sf) =	vpush v9, $0x9  }
0x206: {  	[tilespmem:s0+$0xA210] =	vst v1;
	s0 =	spop (v2sf)  }
0x207: {  	[tilespmem:s0+$0xA200] =	vst v1;
	(v2sf) =	vpush v9, $0xA  }
0x208: {  	[tilespmem:s0+$0xA210] =	vst v1;
	s0 =	spop (v2sf)  }
0x209: {  	[tilespmem:s0+$0xA200] =	vst v1;
	(v2sf) =	vpush v9, $0xB  }
0x20a: {  	[tilespmem:s0+$0xA210] =	vst v1;
	s0 =	spop (v2sf)  }
0x20b: {  	[tilespmem:s0+$0xA200] =	vst v1;
	(v2sf) =	vpush v9, $0xC  }
0x20c: {  	[tilespmem:s0+$0xA210] =	vst v1;
	s0 =	spop (v2sf)  }
.Ltmp7:
0x20d: {  	[tilespmem:s0+$0xA200] =	vst v1;
	(v2sf) =	vpush v9, $0xD;
	(pc) =	sbr.rel @p0 .LBB2_12-.Ltmp7, $4  }
0x20e: {  	[tilespmem:s0+$0xA210] =	vst v1;
	s0 =	spop (v2sf)  }
0x20f: {  	[tilespmem:s0+$0xA200] =	vst v1;
	(v2sf) =	vpush v9, $0xE  }
0x210: {  	[tilespmem:s0+$0xA210] =	vst v1;
	s0 =	spop (v2sf)  }
0x211: {  	[tilespmem:s0+$0xA200] =	vst v1;
	(v2sf) =	vpush v9, $0xF  }
0x212: {  	[tilespmem:s0+$0xA210] =	vst v1;
	s30 =	spop (v2sf)  }
0x213: {  	[tilespmem:s30+$0xA200] =	vst v1  }
0x214: {  	[tilespmem:s30+$0xA210] =	vst v1;
	s31 =	spop (v2sf)  }
0x215: {  	[tilespmem:s31+$0xA200] =	vst v1  }
0x216: {  	[tilespmem:s31+$0xA210] =	vst v1;
	s2 =	spop (v2sf)  }
0x217: {  	[tilespmem:s2+$0xA200] =	vst v1  }
0x218: {  	[tilespmem:s2+$0xA210] =	vst v1;
	s15 =	spop (v2sf)  }
0x219: {  	[tilespmem:s15+$0xA200] =	vst v1  }
0x21a: {  	[tilespmem:s15+$0xA210] =	vst v1;
	s28 =	spop (v2sf)  }
0x21b: {  	[tilespmem:s28+$0xA200] =	vst v1  }
0x21c: {  	[tilespmem:s28+$0xA210] =	vst v1;
	s29 =	spop (v2sf)  }
0x21d: {  	[tilespmem:s29+$0xA200] =	vst v1  }
0x21e: {  	[tilespmem:s29+$0xA210] =	vst v1;
	s30 =	spop (v2sf)  }
0x21f: {  	[tilespmem:s30+$0xA200] =	vst v1  }
0x220: {  	[tilespmem:s30+$0xA210] =	vst v1;
	s31 =	spop (v2sf)  }
0x221: {  	[tilespmem:s31+$0xA200] =	vst v1  }
0x222: {  	[tilespmem:s31+$0xA210] =	vst v1  }
.LBB2_14:
0x223: {  	v9 =	vld [tilespmem:$0x2080]  }
0x224: {  	v10 =	vld [tilespmem:$0x2090]  }
0x225: {  	v11 =	vld [tilespmem:$0x20A0]  }
0x226: {  	v12 =	vld [tilespmem:$0x20B0]  }
0x227: {  	v13 =	vld [tilespmem:$0x20C0]  }
0x228: {  	v14 =	vld [tilespmem:$0x20D0];
	v9 =	vshll.u32 v9, $0x5  }
0x229: {  	v15 =	vld [tilespmem:$0x20E0];
	v10 =	vshll.u32 v10, $0x5;
	v9 =	vadd.s32 v0, v9  }
0x22a: {  	[tilespmem:$0x2180] =	vst v9;
	v9 =	vadd.s32 v2, v10;
	v10 =	vshll.u32 v11, $0x5;
	v11 =	vld [tilespmem:$0x20F0]  }
0x22b: {  	[tilespmem:$0x2190] =	vst v9;
	v9 =	vadd.s32 v3, v10;
	v10 =	vshll.u32 v12, $0x5  }
0x22c: {  	[tilespmem:$0x21A0] =	vst v9;
	v9 =	vadd.s32 v4, v10;
	v10 =	vshll.u32 v13, $0x5  }
0x22d: {  	[tilespmem:$0x21B0] =	vst v9;
	v9 =	vadd.s32 v5, v10;
	v10 =	vshll.u32 v14, $0x5  }
0x22e: {  	[tilespmem:$0x21C0] =	vst v9;
	v9 =	vadd.s32 v6, v10;
	v10 =	vshll.u32 v15, $0x5  }
0x22f: {  	[tilespmem:$0x21D0] =	vst v9;
	v9 =	vadd.s32 v7, v10;
	v10 =	vshll.u32 v11, $0x5  }
0x230: {  	[tilespmem:$0x21E0] =	vst v9;
	v9 =	vadd.s32 v8, v10  }
0x231: {  	s0 =	simm.s32 $0x0;
	[tilespmem:$0x21F0] =	vst v9  }
0x232: {  	v9 =	vld [tilespmem:s0+$0x2180];
	_ =	sdelay $0x4  }
0x233: {  	(v2sf) =	vpush v9, $0x0;
	_ =	sdelay $0x9  }
0x234: {  	s29 =	simm.s32 $0x1100  }
0x235: {  	v10 =	vld [tilespmem:s29+$0xFFFFFF00]  }
0x236: {  	(v2sf) =	vpush v9, $0x1;
	_ =	sdelay $0x2  }
0x237: {  	s15 =	spop (v2sf)  }
0x238: {  	[tilespmem:s15+$0xA200] =	vst v10  }
0x239: {  	v10 =	vld [tilespmem:s29+$0xFFFFFF10];
	_ =	sdelay $0x4  }
0x23a: {  	[tilespmem:s15+$0xA210] =	vst v10  }
0x23b: {  	v10 =	vld [tilespmem:s29+$0xFFFFFF20]  }
0x23c: {  	(v2sf) =	vpush v9, $0x2;
	_ =	sdelay $0x2  }
0x23d: {  	s2 =	spop (v2sf)  }
0x23e: {  	[tilespmem:s2+$0xA200] =	vst v10  }
0x23f: {  	v10 =	vld [tilespmem:s29+$0xFFFFFF30];
	_ =	sdelay $0x4  }
0x240: {  	[tilespmem:s2+$0xA210] =	vst v10  }
0x241: {  	v10 =	vld [tilespmem:s29+$0xFFFFFF40]  }
0x242: {  	(v2sf) =	vpush v9, $0x3;
	_ =	sdelay $0x2  }
0x243: {  	s15 =	spop (v2sf)  }
0x244: {  	[tilespmem:s15+$0xA200] =	vst v10  }
0x245: {  	v10 =	vld [tilespmem:s29+$0xFFFFFF50];
	_ =	sdelay $0x4  }
0x246: {  	[tilespmem:s15+$0xA210] =	vst v10  }
0x247: {  	v10 =	vld [tilespmem:s29+$0xFFFFFF60]  }
0x248: {  	(v2sf) =	vpush v9, $0x4;
	_ =	sdelay $0x2  }
0x249: {  	s2 =	spop (v2sf)  }
0x24a: {  	[tilespmem:s2+$0xA200] =	vst v10  }
0x24b: {  	v10 =	vld [tilespmem:s29+$0xFFFFFF70];
	_ =	sdelay $0x4  }
0x24c: {  	[tilespmem:s2+$0xA210] =	vst v10  }
0x24d: {  	v10 =	vld [tilespmem:s29+$0xFFFFFF80]  }
0x24e: {  	(v2sf) =	vpush v9, $0x5;
	_ =	sdelay $0x2  }
0x24f: {  	s15 =	spop (v2sf)  }
0x250: {  	[tilespmem:s15+$0xA200] =	vst v10  }
0x251: {  	v10 =	vld [tilespmem:s29+$0xFFFFFF90];
	_ =	sdelay $0x4  }
0x252: {  	[tilespmem:s15+$0xA210] =	vst v10  }
0x253: {  	v10 =	vld [tilespmem:s29+$0xFFFFFFA0]  }
0x254: {  	(v2sf) =	vpush v9, $0x6;
	_ =	sdelay $0x2  }
0x255: {  	s2 =	spop (v2sf)  }
0x256: {  	[tilespmem:s2+$0xA200] =	vst v10  }
0x257: {  	v10 =	vld [tilespmem:s29+$0xFFFFFFB0];
	_ =	sdelay $0x4  }
0x258: {  	[tilespmem:s2+$0xA210] =	vst v10  }
0x259: {  	v10 =	vld [tilespmem:s29+$0xFFFFFFC0]  }
0x25a: {  	(v2sf) =	vpush v9, $0x7;
	_ =	sdelay $0x2  }
0x25b: {  	s15 =	spop (v2sf)  }
0x25c: {  	[tilespmem:s15+$0xA200] =	vst v10  }
0x25d: {  	v10 =	vld [tilespmem:s29+$0xFFFFFFD0];
	_ =	sdelay $0x4  }
0x25e: {  	[tilespmem:s15+$0xA210] =	vst v10  }
0x25f: {  	v10 =	vld [tilespmem:s29+$0xFFFFFFE0]  }
0x260: {  	(v2sf) =	vpush v9, $0x8;
	_ =	sdelay $0x2  }
0x261: {  	s2 =	spop (v2sf)  }
0x262: {  	[tilespmem:s2+$0xA200] =	vst v10  }
0x263: {  	v10 =	vld [tilespmem:s29+$0xFFFFFFF0];
	_ =	sdelay $0x4  }
0x264: {  	[tilespmem:s2+$0xA210] =	vst v10  }
0x265: {  	v10 =	vld [tilespmem:s29+$0x0]  }
0x266: {  	(v2sf) =	vpush v9, $0x9;
	_ =	sdelay $0x2  }
0x267: {  	s15 =	spop (v2sf)  }
0x268: {  	[tilespmem:s15+$0xA200] =	vst v10  }
0x269: {  	v10 =	vld [tilespmem:s29+$0x10];
	_ =	sdelay $0x4  }
0x26a: {  	[tilespmem:s15+$0xA210] =	vst v10  }
0x26b: {  	v10 =	vld [tilespmem:s29+$0x20]  }
0x26c: {  	(v2sf) =	vpush v9, $0xA;
	_ =	sdelay $0x2  }
0x26d: {  	s2 =	spop (v2sf)  }
0x26e: {  	[tilespmem:s2+$0xA200] =	vst v10  }
0x26f: {  	v10 =	vld [tilespmem:s29+$0x30];
	_ =	sdelay $0x4  }
0x270: {  	[tilespmem:s2+$0xA210] =	vst v10  }
0x271: {  	v10 =	vld [tilespmem:s29+$0x40]  }
0x272: {  	(v2sf) =	vpush v9, $0xB;
	_ =	sdelay $0x2  }
0x273: {  	s15 =	spop (v2sf)  }
0x274: {  	[tilespmem:s15+$0xA200] =	vst v10  }
0x275: {  	v10 =	vld [tilespmem:s29+$0x50];
	_ =	sdelay $0x4  }
0x276: {  	[tilespmem:s15+$0xA210] =	vst v10  }
0x277: {  	v10 =	vld [tilespmem:s29+$0x60]  }
0x278: {  	(v2sf) =	vpush v9, $0xC;
	_ =	sdelay $0x2  }
0x279: {  	s2 =	spop (v2sf)  }
0x27a: {  	[tilespmem:s2+$0xA200] =	vst v10  }
0x27b: {  	v10 =	vld [tilespmem:s29+$0x70];
	_ =	sdelay $0x4  }
0x27c: {  	[tilespmem:s2+$0xA210] =	vst v10  }
0x27d: {  	v10 =	vld [tilespmem:s29+$0x80]  }
0x27e: {  	(v2sf) =	vpush v9, $0xD;
	_ =	sdelay $0x2  }
0x27f: {  	s15 =	spop (v2sf)  }
0x280: {  	[tilespmem:s15+$0xA200] =	vst v10  }
0x281: {  	v10 =	vld [tilespmem:s29+$0x90];
	_ =	sdelay $0x4  }
0x282: {  	[tilespmem:s15+$0xA210] =	vst v10  }
0x283: {  	v10 =	vld [tilespmem:s29+$0xA0]  }
0x284: {  	(v2sf) =	vpush v9, $0xE;
	_ =	sdelay $0x2  }
0x285: {  	s2 =	spop (v2sf)  }
0x286: {  	[tilespmem:s2+$0xA200] =	vst v10  }
0x287: {  	v10 =	vld [tilespmem:s29+$0xB0];
	_ =	sdelay $0x4  }
0x288: {  	[tilespmem:s2+$0xA210] =	vst v10  }
0x289: {  	v10 =	vld [tilespmem:s29+$0xC0]  }
0x28a: {  	(v2sf) =	vpush v9, $0xF;
	_ =	sdelay $0x2  }
0x28b: {  	s15 =	spop (v2sf)  }
0x28c: {  	[tilespmem:s15+$0xA200] =	vst v10  }
0x28d: {  	v9 =	vld [tilespmem:s29+$0xD0];
	_ =	sdelay $0x4  }
0x28e: {  	[tilespmem:s15+$0xA210] =	vst v9  }
0x28f: {  	v9 =	vld [tilespmem:s29+$0xE0];
	_ =	sdelay $0x3  }
0x290: {  	s0 =	spop (v2sf)  }
0x291: {  	s2 =	sadd.s32 s26, s6;
	[tilespmem:s0+$0xA200] =	vst v9  }
0x292: {  	s30 =	simm.s32 $0x40;
	s31 =	simm.s32 $0x80;
	s28 =	sadd.s32 $0x80, s2;
	v9 =	vld [tilespmem:s29+$0xF0]  }
.LBB2_15:
0x293: {  	_ =	sdelay $0x2  }
0x294: {  	s15 =	sshra.s32 s30, $0x2  }
0x295: {  	s29 =	sadd.s32 $0x200, s29;
	s30 =	smov.u32 s31;
	s2 =	sadd.s32 $0x40, s31;
	[tilespmem:s0+$0xA210] =	vst v9  }
0x296: {  	p0 =	sne.s32 s31, $0x1C0;
	v9 =	vld [tilespmem:s15+$0x2180];
	_ =	sdelay $0x4  }
0x297: {  	(v2sf) =	vpush v9, $0x0;
	_ =	sdelay $0xa  }
0x298: {  	v10 =	vld [tilespmem:s29+$0xFFFFFF00]  }
0x299: {  	(v2sf) =	vpush v9, $0x1;
	_ =	sdelay $0x2  }
0x29a: {  	s0 =	spop (v2sf)  }
0x29b: {  	[tilespmem:s0+$0xA200] =	vst v10  }
0x29c: {  	v10 =	vld [tilespmem:s29+$0xFFFFFF10];
	_ =	sdelay $0x4  }
0x29d: {  	[tilespmem:s0+$0xA210] =	vst v10  }
0x29e: {  	v10 =	vld [tilespmem:s29+$0xFFFFFF20]  }
0x29f: {  	(v2sf) =	vpush v9, $0x2;
	_ =	sdelay $0x2  }
0x2a0: {  	s0 =	spop (v2sf)  }
0x2a1: {  	[tilespmem:s0+$0xA200] =	vst v10  }
0x2a2: {  	v10 =	vld [tilespmem:s29+$0xFFFFFF30];
	_ =	sdelay $0x4  }
0x2a3: {  	[tilespmem:s0+$0xA210] =	vst v10  }
0x2a4: {  	v10 =	vld [tilespmem:s29+$0xFFFFFF40]  }
0x2a5: {  	(v2sf) =	vpush v9, $0x3;
	_ =	sdelay $0x2  }
0x2a6: {  	s0 =	spop (v2sf)  }
0x2a7: {  	[tilespmem:s0+$0xA200] =	vst v10  }
0x2a8: {  	v10 =	vld [tilespmem:s29+$0xFFFFFF50];
	_ =	sdelay $0x4  }
0x2a9: {  	[tilespmem:s0+$0xA210] =	vst v10  }
0x2aa: {  	v10 =	vld [tilespmem:s29+$0xFFFFFF60]  }
0x2ab: {  	(v2sf) =	vpush v9, $0x4;
	_ =	sdelay $0x2  }
0x2ac: {  	s0 =	spop (v2sf)  }
0x2ad: {  	[tilespmem:s0+$0xA200] =	vst v10  }
0x2ae: {  	v10 =	vld [tilespmem:s29+$0xFFFFFF70];
	_ =	sdelay $0x4  }
0x2af: {  	[tilespmem:s0+$0xA210] =	vst v10  }
0x2b0: {  	v10 =	vld [tilespmem:s29+$0xFFFFFF80]  }
0x2b1: {  	(v2sf) =	vpush v9, $0x5;
	_ =	sdelay $0x2  }
0x2b2: {  	s0 =	spop (v2sf)  }
0x2b3: {  	[tilespmem:s0+$0xA200] =	vst v10  }
0x2b4: {  	v10 =	vld [tilespmem:s29+$0xFFFFFF90];
	_ =	sdelay $0x4  }
0x2b5: {  	[tilespmem:s0+$0xA210] =	vst v10  }
0x2b6: {  	v10 =	vld [tilespmem:s29+$0xFFFFFFA0]  }
0x2b7: {  	(v2sf) =	vpush v9, $0x6;
	_ =	sdelay $0x2  }
0x2b8: {  	s0 =	spop (v2sf)  }
0x2b9: {  	[tilespmem:s0+$0xA200] =	vst v10  }
0x2ba: {  	v10 =	vld [tilespmem:s29+$0xFFFFFFB0];
	_ =	sdelay $0x4  }
0x2bb: {  	[tilespmem:s0+$0xA210] =	vst v10  }
0x2bc: {  	v10 =	vld [tilespmem:s29+$0xFFFFFFC0]  }
0x2bd: {  	(v2sf) =	vpush v9, $0x7;
	_ =	sdelay $0x2  }
0x2be: {  	s0 =	spop (v2sf)  }
0x2bf: {  	[tilespmem:s0+$0xA200] =	vst v10  }
0x2c0: {  	v10 =	vld [tilespmem:s29+$0xFFFFFFD0];
	_ =	sdelay $0x4  }
0x2c1: {  	[tilespmem:s0+$0xA210] =	vst v10  }
0x2c2: {  	v10 =	vld [tilespmem:s29+$0xFFFFFFE0]  }
0x2c3: {  	(v2sf) =	vpush v9, $0x8;
	_ =	sdelay $0x2  }
0x2c4: {  	s0 =	spop (v2sf)  }
0x2c5: {  	[tilespmem:s0+$0xA200] =	vst v10  }
0x2c6: {  	v10 =	vld [tilespmem:s29+$0xFFFFFFF0];
	_ =	sdelay $0x4  }
0x2c7: {  	[tilespmem:s0+$0xA210] =	vst v10  }
0x2c8: {  	v10 =	vld [tilespmem:s29+$0x0]  }
0x2c9: {  	(v2sf) =	vpush v9, $0x9;
	_ =	sdelay $0x2  }
0x2ca: {  	s0 =	spop (v2sf)  }
0x2cb: {  	[tilespmem:s0+$0xA200] =	vst v10  }
0x2cc: {  	v10 =	vld [tilespmem:s29+$0x10];
	_ =	sdelay $0x4  }
0x2cd: {  	[tilespmem:s0+$0xA210] =	vst v10  }
0x2ce: {  	v10 =	vld [tilespmem:s29+$0x20]  }
0x2cf: {  	(v2sf) =	vpush v9, $0xA;
	_ =	sdelay $0x2  }
0x2d0: {  	s0 =	spop (v2sf)  }
0x2d1: {  	[tilespmem:s0+$0xA200] =	vst v10  }
0x2d2: {  	v10 =	vld [tilespmem:s29+$0x30];
	_ =	sdelay $0x4  }
0x2d3: {  	[tilespmem:s0+$0xA210] =	vst v10  }
0x2d4: {  	v10 =	vld [tilespmem:s29+$0x40]  }
0x2d5: {  	(v2sf) =	vpush v9, $0xB;
	_ =	sdelay $0x2  }
0x2d6: {  	s0 =	spop (v2sf)  }
0x2d7: {  	[tilespmem:s0+$0xA200] =	vst v10  }
0x2d8: {  	v10 =	vld [tilespmem:s29+$0x50];
	_ =	sdelay $0x4  }
0x2d9: {  	[tilespmem:s0+$0xA210] =	vst v10  }
0x2da: {  	v10 =	vld [tilespmem:s29+$0x60]  }
0x2db: {  	(v2sf) =	vpush v9, $0xC;
	_ =	sdelay $0x2  }
0x2dc: {  	s0 =	spop (v2sf)  }
0x2dd: {  	[tilespmem:s0+$0xA200] =	vst v10  }
0x2de: {  	v10 =	vld [tilespmem:s29+$0x70];
	_ =	sdelay $0x4  }
0x2df: {  	[tilespmem:s0+$0xA210] =	vst v10  }
0x2e0: {  	v10 =	vld [tilespmem:s29+$0x80]  }
0x2e1: {  	(v2sf) =	vpush v9, $0xD;
	_ =	sdelay $0x2  }
0x2e2: {  	s0 =	spop (v2sf)  }
0x2e3: {  	[tilespmem:s0+$0xA200] =	vst v10  }
0x2e4: {  	v10 =	vld [tilespmem:s29+$0x90];
	_ =	sdelay $0x4  }
0x2e5: {  	[tilespmem:s0+$0xA210] =	vst v10  }
0x2e6: {  	v10 =	vld [tilespmem:s29+$0xA0]  }
0x2e7: {  	(v2sf) =	vpush v9, $0xE;
	_ =	sdelay $0x2  }
0x2e8: {  	s0 =	spop (v2sf)  }
0x2e9: {  	[tilespmem:s0+$0xA200] =	vst v10  }
0x2ea: {  	v10 =	vld [tilespmem:s29+$0xB0];
	_ =	sdelay $0x4  }
0x2eb: {  	[tilespmem:s0+$0xA210] =	vst v10  }
0x2ec: {  	v10 =	vld [tilespmem:s29+$0xC0]  }
0x2ed: {  	(v2sf) =	vpush v9, $0xF;
	_ =	sdelay $0x2  }
0x2ee: {  	s0 =	spop (v2sf)  }
0x2ef: {  	[tilespmem:s0+$0xA200] =	vst v10  }
0x2f0: {  	v9 =	vld [tilespmem:s29+$0xD0];
	_ =	sdelay $0x4  }
0x2f1: {  	[tilespmem:s0+$0xA210] =	vst v9  }
0x2f2: {  	v9 =	vld [tilespmem:s29+$0xE0];
	_ =	sdelay $0x1  }
.Ltmp8:
0x2f3: {  	(pc) =	sbr.rel @p0 .LBB2_15-.Ltmp8, $4  }
0x2f4: {  	_ = 	snop  }
0x2f5: {  	s0 =	spop (v2sf)  }
0x2f6: {  	[tilespmem:s0+$0xA200] =	vst v9  }
0x2f7: {  	s31 =	smov.u32 s2;
	v9 =	vld [tilespmem:s29+$0xF0]  }
0x2f8: {  	_ =	sdelay $0x3  }
0x2f9: {  	s2 =	sshra.s32 s30, $0x2;
	[tilespmem:s0+$0xA210] =	vst v9  }
0x2fa: {  	v9 =	vld [tilespmem:s2+$0x2180];
	_ =	sdelay $0x4  }
0x2fb: {  	(v2sf) =	vpush v9, $0x0;
	_ =	sdelay $0x9  }
0x2fc: {  	s29 =	sadd.s32 $0x200, s29  }
0x2fd: {  	v10 =	vld [tilespmem:s29+$0xFFFFFF00]  }
0x2fe: {  	(v2sf) =	vpush v9, $0x1;
	_ =	sdelay $0x2  }
0x2ff: {  	s30 =	spop (v2sf)  }
0x300: {  	[tilespmem:s30+$0xA200] =	vst v10  }
0x301: {  	v10 =	vld [tilespmem:s29+$0xFFFFFF10];
	_ =	sdelay $0x4  }
0x302: {  	[tilespmem:s30+$0xA210] =	vst v10  }
0x303: {  	v10 =	vld [tilespmem:s29+$0xFFFFFF20]  }
0x304: {  	(v2sf) =	vpush v9, $0x2;
	_ =	sdelay $0x2  }
0x305: {  	s31 =	spop (v2sf)  }
0x306: {  	[tilespmem:s31+$0xA200] =	vst v10  }
0x307: {  	v10 =	vld [tilespmem:s29+$0xFFFFFF30];
	_ =	sdelay $0x4  }
0x308: {  	[tilespmem:s31+$0xA210] =	vst v10  }
0x309: {  	v10 =	vld [tilespmem:s29+$0xFFFFFF40]  }
0x30a: {  	(v2sf) =	vpush v9, $0x3;
	_ =	sdelay $0x2  }
0x30b: {  	s2 =	spop (v2sf)  }
0x30c: {  	[tilespmem:s2+$0xA200] =	vst v10  }
0x30d: {  	v10 =	vld [tilespmem:s29+$0xFFFFFF50];
	_ =	sdelay $0x4  }
0x30e: {  	[tilespmem:s2+$0xA210] =	vst v10  }
0x30f: {  	v10 =	vld [tilespmem:s29+$0xFFFFFF60]  }
0x310: {  	(v2sf) =	vpush v9, $0x4;
	_ =	sdelay $0x2  }
0x311: {  	s15 =	spop (v2sf)  }
0x312: {  	[tilespmem:s15+$0xA200] =	vst v10  }
0x313: {  	v10 =	vld [tilespmem:s29+$0xFFFFFF70];
	_ =	sdelay $0x4  }
0x314: {  	[tilespmem:s15+$0xA210] =	vst v10  }
0x315: {  	v10 =	vld [tilespmem:s29+$0xFFFFFF80]  }
0x316: {  	(v2sf) =	vpush v9, $0x5;
	_ =	sdelay $0x2  }
0x317: {  	s30 =	spop (v2sf)  }
0x318: {  	[tilespmem:s30+$0xA200] =	vst v10  }
0x319: {  	v10 =	vld [tilespmem:s29+$0xFFFFFF90];
	_ =	sdelay $0x4  }
0x31a: {  	[tilespmem:s30+$0xA210] =	vst v10  }
0x31b: {  	v10 =	vld [tilespmem:s29+$0xFFFFFFA0]  }
0x31c: {  	(v2sf) =	vpush v9, $0x6;
	_ =	sdelay $0x2  }
0x31d: {  	s31 =	spop (v2sf)  }
0x31e: {  	[tilespmem:s31+$0xA200] =	vst v10  }
0x31f: {  	v10 =	vld [tilespmem:s29+$0xFFFFFFB0];
	_ =	sdelay $0x4  }
0x320: {  	[tilespmem:s31+$0xA210] =	vst v10  }
0x321: {  	v10 =	vld [tilespmem:s29+$0xFFFFFFC0]  }
0x322: {  	(v2sf) =	vpush v9, $0x7;
	_ =	sdelay $0x2  }
0x323: {  	s2 =	spop (v2sf)  }
0x324: {  	[tilespmem:s2+$0xA200] =	vst v10  }
0x325: {  	v10 =	vld [tilespmem:s29+$0xFFFFFFD0];
	_ =	sdelay $0x4  }
0x326: {  	[tilespmem:s2+$0xA210] =	vst v10  }
0x327: {  	v10 =	vld [tilespmem:s29+$0xFFFFFFE0]  }
0x328: {  	(v2sf) =	vpush v9, $0x8;
	_ =	sdelay $0x2  }
0x329: {  	s15 =	spop (v2sf)  }
0x32a: {  	[tilespmem:s15+$0xA200] =	vst v10  }
0x32b: {  	v10 =	vld [tilespmem:s29+$0xFFFFFFF0];
	_ =	sdelay $0x4  }
0x32c: {  	[tilespmem:s15+$0xA210] =	vst v10  }
0x32d: {  	v10 =	vld [tilespmem:s29+$0x0]  }
0x32e: {  	(v2sf) =	vpush v9, $0x9;
	_ =	sdelay $0x2  }
0x32f: {  	s30 =	spop (v2sf)  }
0x330: {  	[tilespmem:s30+$0xA200] =	vst v10  }
0x331: {  	v10 =	vld [tilespmem:s29+$0x10];
	_ =	sdelay $0x4  }
0x332: {  	[tilespmem:s30+$0xA210] =	vst v10  }
0x333: {  	v10 =	vld [tilespmem:s29+$0x20]  }
0x334: {  	(v2sf) =	vpush v9, $0xA;
	_ =	sdelay $0x2  }
0x335: {  	s31 =	spop (v2sf)  }
0x336: {  	[tilespmem:s31+$0xA200] =	vst v10  }
0x337: {  	v10 =	vld [tilespmem:s29+$0x30];
	_ =	sdelay $0x4  }
0x338: {  	[tilespmem:s31+$0xA210] =	vst v10  }
0x339: {  	v10 =	vld [tilespmem:s29+$0x40]  }
0x33a: {  	(v2sf) =	vpush v9, $0xB;
	_ =	sdelay $0x2  }
0x33b: {  	s2 =	spop (v2sf)  }
0x33c: {  	[tilespmem:s2+$0xA200] =	vst v10  }
0x33d: {  	v10 =	vld [tilespmem:s29+$0x50];
	_ =	sdelay $0x4  }
0x33e: {  	[tilespmem:s2+$0xA210] =	vst v10  }
0x33f: {  	v10 =	vld [tilespmem:s29+$0x60]  }
0x340: {  	(v2sf) =	vpush v9, $0xC;
	_ =	sdelay $0x2  }
0x341: {  	s15 =	spop (v2sf)  }
0x342: {  	[tilespmem:s15+$0xA200] =	vst v10  }
0x343: {  	v10 =	vld [tilespmem:s29+$0x70];
	_ =	sdelay $0x4  }
0x344: {  	[tilespmem:s15+$0xA210] =	vst v10  }
0x345: {  	v10 =	vld [tilespmem:s29+$0x80]  }
0x346: {  	(v2sf) =	vpush v9, $0xD;
	_ =	sdelay $0x2  }
0x347: {  	s30 =	spop (v2sf)  }
0x348: {  	[tilespmem:s30+$0xA200] =	vst v10  }
0x349: {  	v10 =	vld [tilespmem:s29+$0x90];
	_ =	sdelay $0x4  }
0x34a: {  	[tilespmem:s30+$0xA210] =	vst v10  }
0x34b: {  	v10 =	vld [tilespmem:s29+$0xA0]  }
0x34c: {  	(v2sf) =	vpush v9, $0xE;
	_ =	sdelay $0x2  }
0x34d: {  	s31 =	spop (v2sf)  }
0x34e: {  	[tilespmem:s31+$0xA200] =	vst v10  }
0x34f: {  	v10 =	vld [tilespmem:s29+$0xB0];
	_ =	sdelay $0x4  }
0x350: {  	[tilespmem:s31+$0xA210] =	vst v10  }
0x351: {  	v10 =	vld [tilespmem:s29+$0xC0]  }
0x352: {  	(v2sf) =	vpush v9, $0xF;
	_ =	sdelay $0x2  }
0x353: {  	s2 =	spop (v2sf)  }
0x354: {  	[tilespmem:s2+$0xA200] =	vst v10  }
0x355: {  	v9 =	vld [tilespmem:s29+$0xD0];
	_ =	sdelay $0x4  }
0x356: {  	[tilespmem:s2+$0xA210] =	vst v9  }
0x357: {  	v9 =	vld [tilespmem:s29+$0xE0];
	_ =	sdelay $0x3  }
0x358: {  	s15 =	spop (v2sf)  }
0x359: {  	[tilespmem:s15+$0xA200] =	vst v9  }
0x35a: {  	v9 =	vld [tilespmem:s29+$0xF0];
	_ =	sdelay $0x2  }
.Ltmp9:
0x35b: {  	_ = 	snop;
	(pc) =	sbr.rel @p1 .LBB2_18-.Ltmp9, $4  }
0x35c: {  	s30 =	sshll.u32 s28, $0x5  }
0x35d: {  	s31 =	sand.u32 $0x1FFFF000, s30;
	[tilespmem:s15+$0xA210] =	vst v9  }
0x35e: {  	s0 =	sadd.s32 s3, s31;
	[bflag:$0x0] =	sbarrier.arrive $0xFFFF  }
0x35f: {  	[hbm4b:s0+s4] =	stream.linear.scatter [tilespmem:s21], [sflag:$0x4], $0x8000, $0x38;
	[tilespmem:$0x12200] =	vst v63  }
0x360: {  	s0 =	sadd.s32 s26, s13  }
0x361: {  	s2 =	sshll.u32 s0, $0x2  }
.Ltmp10:
0x362: {  	s2 =	sand.u32 $0x1FFFFE00, s2;
	(pc) =	sbr.rel .LBB2_4-.Ltmp10, $4  }
0x363: {  	s0 =	sshrl.u32 s0, $0x3;
	s2 =	sadd.s32 s5, s2  }
0x364: {  	[tilespmem:s16], [sflag:$0x2] =	stream.linear.gather [hbm4b:s2+s4], $0x1000, $0x38;
	[tilespmem:$0x12200] =	vst v63  }
0x365: {  	s25 =	sadd.s32 $0x1, s25;
	s0 =	sadd.s32 s1, s0  }
0x366: {  	[tilespmem:s17], [sflag:$0x2] =	stream.linear.gather [hbm4b:s0+s4], $0x80, $0x38;
	[tilespmem:$0x12200] =	vst v63  }
.LBB2_19:
0x367: {  	_ =	sfence.sel $0x180000  }
0x368: {  	[bflag:$0x0] =	sbarrier.arrive $0xFFFF  }
0x369: {  	_ =	strace $0x90000047  }
0x36a: {  	s0 =	stileid.u32;
	[bflag:$0x2] =	sbarrier.arrive $0xFFFF  }
0x36b: {  	p0 =	sne.s32 s0, $0x0;
	s0 =	rddreg [dreg:$0x3]  }
0x36c: {  	s0 =	sadd.s32 @!p0 $0x100000, s0  }
0x36d: {  	[sflag:s0] =	ssyncadd.tile.s32 @!p0 $0x1;
	_ =	shalt  }
.Lfunc_end2:
_tile_overlayer_lowered:
.L_overlay_start_2:
0x36e: {  	(tag) =	ssettag $0x2  }
0x36f: {  	s0 =	rddreg [dreg:$0x0];
	s2 =	stileid.u32  }
0x370: {  	s1 =	rddreg [dreg:$0x1];
	p0 =	sne.s32 s2, $0x0  }
0x371: {  	s3 =	rddreg [dreg:$0x2];
	[bflag:$0x3] =	sbarrier.arrive $0xFFFF;
	s2 =	simm.s32 @!p0 $0x1C05  }
0x372: {  	[timem:s3], [sflag:s2] =	dma.local @!p0 [hbm:s0], s1  }
0x373: {  	s0 =	simm.s32 @!p0 $0x5  }
0x374: {  	_ =	swait.ge @!p0 [sflag:s0], s1  }
0x375: {  	s1 =	ssub.s32 @!p0 $0x0, s1;
	[sflag:s0] =	ssyncset.done @!p0 $0x0  }
0x376: {  	[sflag:s0] =	ssyncadd.s32 @!p0 s1  }
0x377: {  	[bflag:$0x3] =	sbarrier.arrive $0xFFFF  }
0x378: {  	_ =	shalt  }

</sc_bundles>
